<compile_context>
chip_gen: v7x
topology: tpu7x:2x2x1
jax: 0.10.2.dev20260603
libtpu: 0.0.44.dev20260713+nightly
codegen_flags: <defaults>
</compile_context>

<pallas_src>
import functools

import jax
import jax.numpy as jnp
from jax import lax
from jax.experimental import pallas as pl
from jax.experimental.pallas import tpu as pltpu
from jax.experimental.pallas import tpu_sc as plsc

B, S, D = 4, 8192, 2048
N = 1024
NC, NS = 2, 16
NW = NC * NS
ROWS_PER_W = (B * S) // NW
ENT_PER_W = (B * N) // NW
CH = 16
N_COPY = ROWS_PER_W // CH
N_SCAT = ENT_PER_W // CH
BIG = 2**30


_COPY_BLOCK = 1024


def _copy_idx_body(x_ref, vi_ref, o_ref, dst_ref, src_ref):
  o_ref[...] = x_ref[...]

  @pl.when(pl.program_id(0) == 0)
  def _():
    vi = vi_ref[...]
    rows = vi.shape[0]
    nxt = jnp.concatenate(
        [vi[:, 1:], jnp.full((rows, 1), -1, jnp.int32)], axis=1)
    is_last = vi != nxt
    j = lax.broadcasted_iota(jnp.int32, vi.shape, 1)
    w = jnp.where(is_last, j, BIG)
    k = 1
    while k < vi.shape[1]:
      shifted = jnp.concatenate(
          [w[:, k:], jnp.full((rows, k), BIG, jnp.int32)], axis=1)
      w = jnp.minimum(w, shifted)
      k *= 2
    b = lax.broadcasted_iota(jnp.int32, vi.shape, 0)
    dst_ref[...] = b * S + vi
    src_ref[...] = b * N + w


def _tc_copy_idx(text_flat, vision_indices):
  grid = (B * S) // _COPY_BLOCK
  out, dst, src = pl.pallas_call(
      _copy_idx_body,
      grid=(grid,),
      in_specs=[
          pl.BlockSpec((_COPY_BLOCK, D), lambda i: (i, 0)),
          pl.BlockSpec((B, N), lambda i: (0, 0)),
      ],
      out_specs=[
          pl.BlockSpec((_COPY_BLOCK, D), lambda i: (i, 0)),
          pl.BlockSpec((B, N), lambda i: (0, 0)),
          pl.BlockSpec((B, N), lambda i: (0, 0)),
      ],
      out_shape=[
          jax.ShapeDtypeStruct((B * S, D), jnp.float32),
          jax.ShapeDtypeStruct((B, N), jnp.int32),
          jax.ShapeDtypeStruct((B, N), jnp.int32),
      ],
  )(text_flat, vision_indices)
  return out, dst, src


def _sc_body(text_hbm, img_hbm, dst_hbm, src_hbm, out_hbm,
             buf_a, buf_b, buf_c, dsti_a, dsti_b, dsti_c,
             srci_a, srci_b, srci_c, row0_v,
             sem_la, sem_lb, sem_lc, sem_sa, sem_sb, sem_sc3):
  c = lax.axis_index("c")
  s = lax.axis_index("s")
  wid = c * NS + s

  bufs = (buf_a, buf_b, buf_c)
  lsems = (sem_la, sem_lb, sem_lc)
  ssems = (sem_sa, sem_sb, sem_sc3)

  @pl.when(s < B // NC)
  def _():
    pltpu.sync_copy(text_hbm.at[pl.ds((c * (B // NC) + s) * S, 1)], row0_v)

  WPB = NW // B
  erow = wid // WPB
  ecol = (wid % WPB) * ENT_PER_W
  dsts = (dsti_a, dsti_b, dsti_c)
  srcs = (srci_a, srci_b, srci_c)
  gath = [None] * N_SCAT
  scat = [None] * N_SCAT
  for t in range(2):
    off = ecol + t * CH
    pltpu.sync_copy(dst_hbm.at[erow, pl.ds(off, CH)], dsts[t])
    pltpu.sync_copy(src_hbm.at[erow, pl.ds(off, CH)], srcs[t])
    gath[t] = pltpu.async_copy(img_hbm.at[srcs[t]], bufs[t], lsems[t])
  for t in range(N_SCAT):
    if t + 2 < N_SCAT:
      if t >= 1:
        scat[t - 1].wait()
      off = ecol + (t + 2) * CH
      pltpu.sync_copy(dst_hbm.at[erow, pl.ds(off, CH)], dsts[(t + 2) % 3])
      pltpu.sync_copy(src_hbm.at[erow, pl.ds(off, CH)], srcs[(t + 2) % 3])
      gath[t + 2] = pltpu.async_copy(
          img_hbm.at[srcs[(t + 2) % 3]], bufs[(t + 2) % 3],
          lsems[(t + 2) % 3])
    gath[t].wait()
    scat[t] = pltpu.async_copy(
        bufs[t % 3], out_hbm.at[dsts[t % 3]], ssems[t % 3])
  scat[N_SCAT - 3].wait()
  scat[N_SCAT - 2].wait()
  scat[N_SCAT - 1].wait()

  plsc.subcore_barrier()

  @pl.when(s < B // NC)
  def _():
    pltpu.sync_copy(row0_v, out_hbm.at[pl.ds((c * (B // NC) + s) * S, 1)])


@functools.partial(jax.jit, static_argnames=())
def kernel(image_embeddings, text_embeddings, vision_indices):
  text_flat = text_embeddings.reshape(B * S, D)
  img_flat = image_embeddings.reshape(B * N, D)
  out0, dst, src = _tc_copy_idx(text_flat, vision_indices)
  out_ref = jax.new_ref(out0)

  mesh = plsc.VectorSubcoreMesh(
      core_axis_name="c", subcore_axis_name="s",
      num_cores=NC, num_subcores=NS)
  sc = pl.kernel(
      _sc_body,
      out_type=(),
      mesh=mesh,
      scratch_types=[
          pltpu.VMEM((CH, D), jnp.float32),
          pltpu.VMEM((CH, D), jnp.float32),
          pltpu.VMEM((CH, D), jnp.float32),
          pltpu.VMEM((CH,), jnp.int32),
          pltpu.VMEM((CH,), jnp.int32),
          pltpu.VMEM((CH,), jnp.int32),
          pltpu.VMEM((CH,), jnp.int32),
          pltpu.VMEM((CH,), jnp.int32),
          pltpu.VMEM((CH,), jnp.int32),
          pltpu.VMEM((1, D), jnp.float32),
          pltpu.SemaphoreType.DMA,
          pltpu.SemaphoreType.DMA,
          pltpu.SemaphoreType.DMA,
          pltpu.SemaphoreType.DMA,
          pltpu.SemaphoreType.DMA,
          pltpu.SemaphoreType.DMA,
      ],
  )
  sc(text_flat, img_flat, dst, src, out_ref)
  return out_ref[...].reshape(B, S, D)

# --- scband reference (transcript-rebuilt; emitter-appended) ---
"""Pipeline reference for scband-gemma4-interleave-embeddings-60979945669118 (READ-ONLY COPY).

The authoritative reference and input builder live on the scoring server;
editing this copy changes nothing except your own understanding.
"""

import jax, jax.numpy as jnp
import numpy as np


def setup_inputs(seed: int = 0) -> dict:
    key = jax.random.key(seed)
    k1, k2, k3 = jax.random.split(key, 3)
    image_embeddings = jax.random.normal(k1, (4, 4, 256, 2048), dtype=jnp.float32)
    text_embeddings = jax.random.normal(k2, (4, 8192, 2048), dtype=jnp.float32)
    vision_indices = jnp.sort(
        jax.random.randint(k3, (4, 1024), 0, 8192), axis=-1
    ).astype(jnp.int32)
    return {
        "image_embeddings": image_embeddings,
        "text_embeddings": text_embeddings,
        "vision_indices": vision_indices,
    }


def reference(image_embeddings, text_embeddings, vision_indices):
    batch_size, seq_length, embedding_dim = text_embeddings.shape
    max_images = image_embeddings.shape[1]
    num_patches = image_embeddings.shape[2]
    if max_images == 0:
        return text_embeddings
    flat_text_embeddings = text_embeddings.reshape(batch_size * seq_length, embedding_dim)
    to_add = (jnp.arange(batch_size, dtype=jnp.int32) * seq_length)[:, None]
    valid_vision_indices = vision_indices[:, : max_images * num_patches]
    num_actual = valid_vision_indices.shape[1]
    all_img = image_embeddings.reshape(batch_size, max_images * num_patches, embedding_dim)
    flat_image_embeddings = all_img[:, :num_actual, :].reshape(-1, embedding_dim)
    shifted = valid_vision_indices.astype(jnp.int32) + to_add
    flat_vision_indices = shifted.reshape(-1)
    zeroth_index_text_embeddings = jnp.take(flat_text_embeddings, to_add[:, 0], axis=0)
    reconstructed = flat_text_embeddings.at[flat_vision_indices].set(flat_image_embeddings)
    reconstructed = reconstructed.at[to_add[:, 0]].set(zeroth_index_text_embeddings)
    return reconstructed.reshape(batch_size, seq_length, embedding_dim)

if __name__ == "__main__":
    import jax
    _d = setup_inputs()
    print(jax.jit(kernel)(*tuple(_d.values())))

</pallas_src>

<mosaic_0001>
#map = affine_map<(d0, d1) -> (0, 0)>
module attributes {stable_mosaic.version = 14 : i64} {
  func.func @new_body(%arg0: i32, %arg1: i32, %arg2: memref<32768x2048xf32, #tpu.memory_space<hbm>>, %arg3: memref<4096x2048xf32, #tpu.memory_space<hbm>>, %arg4: memref<4x1024xi32, #tpu.memory_space<hbm>>, %arg5: memref<4x1024xi32, #tpu.memory_space<hbm>>, %arg6: memref<32768x2048xf32, #tpu.memory_space<hbm>>, %arg7: memref<32768x2048xf32, #tpu.memory_space<hbm>>, %arg8: memref<16x2048xf32, #tpu.memory_space<vmem>>, %arg9: memref<16x2048xf32, #tpu.memory_space<vmem>>, %arg10: memref<16x2048xf32, #tpu.memory_space<vmem>>, %arg11: memref<16xi32, #tpu.memory_space<vmem>>, %arg12: memref<16xi32, #tpu.memory_space<vmem>>, %arg13: memref<16xi32, #tpu.memory_space<vmem>>, %arg14: memref<16xi32, #tpu.memory_space<vmem>>, %arg15: memref<16xi32, #tpu.memory_space<vmem>>, %arg16: memref<16xi32, #tpu.memory_space<vmem>>, %arg17: memref<1x2048xf32, #tpu.memory_space<vmem>>, %arg18: memref<!tpu.dma_semaphore, #tpu.memory_space<semaphore_mem>>, %arg19: memref<!tpu.dma_semaphore, #tpu.memory_space<semaphore_mem>>, %arg20: memref<!tpu.dma_semaphore, #tpu.memory_space<semaphore_mem>>, %arg21: memref<!tpu.dma_semaphore, #tpu.memory_space<semaphore_mem>>, %arg22: memref<!tpu.dma_semaphore, #tpu.memory_space<semaphore_mem>>, %arg23: memref<!tpu.dma_semaphore, #tpu.memory_space<semaphore_mem>>) attributes {dimension_semantics = [#tpu.dimension_semantics<core_parallel>, #tpu.dimension_semantics<subcore_parallel>], iteration_bounds = array<i64: 2, 16>, scalar_prefetch = 0 : i64, scratch_operands = 16 : i64, tpu.core_type = #tpu.core_type<sc_vector_subcore>, window_params = [{transform_indices = #map}, {transform_indices = #map}, {transform_indices = #map}, {transform_indices = #map}, {transform_indices = #map}, {transform_indices = #map}]} {
    %mul3A = arith.constant 16 : i32
    %mul3A_0 = arith.muli %arg0, %mul3A : i32
    %add3A = arith.addi %mul3A_0, %arg1 : i32
    %lt3A = arith.constant 2 : i32
    %lt3A_1 = arith.cmpi slt, %arg1, %lt3A : i32
    %convert_element_type3A = arith.extui %lt3A_1 : i1 to i32
    %cond3A = arith.constant 0 : i32
    %cond3A_2 = arith.cmpi ne, %convert_element_type3A, %cond3A : i32
    scf.if %cond3A_2 {
      %mul3A_151 = arith.constant 2 : i32
      %mul3A_152 = arith.muli %arg0, %mul3A_151 : i32
      %add3A_153 = arith.addi %mul3A_152, %arg1 : i32
      %mul3A_154 = arith.constant 8192 : i32
      %mul3A_155 = arith.muli %add3A_153, %mul3A_154 : i32
      "tpu.region"() ({
        %run_scoped3A = tpu.sem_alloc : memref<!tpu.dma_semaphore, #tpu.memory_space<semaphore_mem>>
        %dma_start3A_156 = arith.constant 0 : i32
        %dma_start3A_157 = tpu.memref_slice %arg2[%mul3A_155, %dma_start3A_156] : memref<32768x2048xf32, #tpu.memory_space<hbm>> -> memref<1x2048xf32, #tpu.memory_space<hbm>>
        %dma_start3A_158 = arith.constant 0 : i32
        %dma_start3A_159 = tpu.memref_slice %arg2[%mul3A_155, %dma_start3A_158] : memref<32768x2048xf32, #tpu.memory_space<hbm>> -> memref<1x2048xf32, #tpu.memory_space<hbm>>
        tpu.enqueue_dma source(%dma_start3A_159 : memref<1x2048xf32, #tpu.memory_space<hbm>>) target(%arg17 : memref<1x2048xf32, #tpu.memory_space<vmem>>) target_semaphore(%run_scoped3A : memref<!tpu.dma_semaphore, #tpu.memory_space<semaphore_mem>>)
        %dma_wait3A_160 = arith.constant 0 : i32
        %dma_wait3A_161 = tpu.memref_slice %arg2[%mul3A_155, %dma_wait3A_160] : memref<32768x2048xf32, #tpu.memory_space<hbm>> -> memref<1x2048xf32, #tpu.memory_space<hbm>>
        %dma_wait3A_162 = arith.constant 0 : i32
        %dma_wait3A_163 = tpu.memref_slice %arg2[%mul3A_155, %dma_wait3A_162] : memref<32768x2048xf32, #tpu.memory_space<hbm>> -> memref<1x2048xf32, #tpu.memory_space<hbm>>
        tpu.wait_dma2 semaphore(%run_scoped3A : memref<!tpu.dma_semaphore, #tpu.memory_space<semaphore_mem>>) src(%dma_wait3A_163 : memref<1x2048xf32, #tpu.memory_space<hbm>>) dst(%arg17 : memref<1x2048xf32, #tpu.memory_space<vmem>>)
        tpu.yield
      }) : () -> ()
    } else {
    }
    %jit3A = arith.constant 8 : i32
    %div3A = arith.divsi %add3A, %jit3A : i32
    %sign3A = arith.constant 0 : i32
    %sign3A_3 = arith.cmpi sgt, %add3A, %sign3A : i32
    %sign3A_4 = arith.extui %sign3A_3 : i1 to i32
    %sign3A_5 = arith.constant 0 : i32
    %sign3A_6 = arith.cmpi slt, %add3A, %sign3A_5 : i32
    %sign3A_7 = arith.extui %sign3A_6 : i1 to i32
    %sign3A_8 = arith.subi %sign3A_4, %sign3A_7 : i32
    %sign3A_9 = arith.constant 0 : i32
    %sign3A_10 = arith.cmpi sgt, %jit3A, %sign3A_9 : i32
    %sign3A_11 = arith.extui %sign3A_10 : i1 to i32
    %sign3A_12 = arith.constant 0 : i32
    %sign3A_13 = arith.cmpi slt, %jit3A, %sign3A_12 : i32
    %sign3A_14 = arith.extui %sign3A_13 : i1 to i32
    %sign3A_15 = arith.subi %sign3A_11, %sign3A_14 : i32
    %ne3A = arith.cmpi ne, %sign3A_8, %sign3A_15 : i32
    %rem3A = arith.remsi %add3A, %jit3A : i32
    %ne3A_16 = arith.constant 0 : i32
    %ne3A_17 = arith.cmpi ne, %rem3A, %ne3A_16 : i32
    %and3A = arith.andi %ne3A, %ne3A_17 : i1
    %sub3A = arith.constant 1 : i32
    %sub3A_18 = arith.subi %div3A, %sub3A : i32
    %select_n3A = arith.select %and3A, %sub3A_18, %div3A : i32
    %jit3A_19 = arith.constant 8 : i32
    %eq3A = arith.constant 0 : i32
    %eq3A_20 = arith.cmpi eq, %jit3A_19, %eq3A : i32
    %jit3A_21 = arith.constant 1 : i32
    %select_n3A_22 = arith.select %eq3A_20, %jit3A_21, %jit3A_19 : i32
    %rem3A_23 = arith.remsi %add3A, %select_n3A_22 : i32
    %ne3A_24 = arith.constant 0 : i32
    %ne3A_25 = arith.cmpi ne, %rem3A_23, %ne3A_24 : i32
    %lt3A_26 = arith.constant 0 : i32
    %lt3A_27 = arith.cmpi slt, %rem3A_23, %lt3A_26 : i32
    %lt3A_28 = arith.constant 0 : i32
    %lt3A_29 = arith.cmpi slt, %select_n3A_22, %lt3A_28 : i32
    %ne3A_30 = arith.xori %lt3A_27, %lt3A_29 : i1
    %and3A_31 = arith.andi %ne3A_30, %ne3A_25 : i1
    %add3A_32 = arith.addi %rem3A_23, %select_n3A_22 : i32
    %select_n3A_33 = arith.select %and3A_31, %add3A_32, %rem3A_23 : i32
    %mul3A_34 = arith.constant 128 : i32
    %mul3A_35 = arith.muli %select_n3A_33, %mul3A_34 : i32
    %add3A_36 = arith.constant 0 : i32
    %add3A_37 = arith.addi %mul3A_35, %add3A_36 : i32
    "tpu.region"() ({
      %run_scoped3A = tpu.sem_alloc : memref<!tpu.dma_semaphore, #tpu.memory_space<semaphore_mem>>
      %dma_start3A_151 = tpu.memref_slice %arg4[%select_n3A, %add3A_37] : memref<4x1024xi32, #tpu.memory_space<hbm>> -> memref<1x16xi32, #tpu.memory_space<hbm>>
      %dma_start3A_152 = tpu.memref_squeeze %dma_start3A_151 : memref<1x16xi32, #tpu.memory_space<hbm>> -> memref<16xi32, #tpu.memory_space<hbm>>
      %dma_start3A_153 = tpu.memref_slice %arg4[%select_n3A, %add3A_37] : memref<4x1024xi32, #tpu.memory_space<hbm>> -> memref<1x16xi32, #tpu.memory_space<hbm>>
      %dma_start3A_154 = tpu.memref_squeeze %dma_start3A_153 : memref<1x16xi32, #tpu.memory_space<hbm>> -> memref<16xi32, #tpu.memory_space<hbm>>
      tpu.enqueue_dma source(%dma_start3A_154 : memref<16xi32, #tpu.memory_space<hbm>>) target(%arg11 : memref<16xi32, #tpu.memory_space<vmem>>) target_semaphore(%run_scoped3A : memref<!tpu.dma_semaphore, #tpu.memory_space<semaphore_mem>>)
      %dma_wait3A_155 = tpu.memref_slice %arg4[%select_n3A, %add3A_37] : memref<4x1024xi32, #tpu.memory_space<hbm>> -> memref<1x16xi32, #tpu.memory_space<hbm>>
      %dma_wait3A_156 = tpu.memref_squeeze %dma_wait3A_155 : memref<1x16xi32, #tpu.memory_space<hbm>> -> memref<16xi32, #tpu.memory_space<hbm>>
      %dma_wait3A_157 = tpu.memref_slice %arg4[%select_n3A, %add3A_37] : memref<4x1024xi32, #tpu.memory_space<hbm>> -> memref<1x16xi32, #tpu.memory_space<hbm>>
      %dma_wait3A_158 = tpu.memref_squeeze %dma_wait3A_157 : memref<1x16xi32, #tpu.memory_space<hbm>> -> memref<16xi32, #tpu.memory_space<hbm>>
      tpu.wait_dma2 semaphore(%run_scoped3A : memref<!tpu.dma_semaphore, #tpu.memory_space<semaphore_mem>>) src(%dma_wait3A_158 : memref<16xi32, #tpu.memory_space<hbm>>) dst(%arg11 : memref<16xi32, #tpu.memory_space<vmem>>)
      tpu.yield
    }) : () -> ()
    "tpu.region"() ({
      %run_scoped3A = tpu.sem_alloc : memref<!tpu.dma_semaphore, #tpu.memory_space<semaphore_mem>>
      %dma_start3A_151 = tpu.memref_slice %arg5[%select_n3A, %add3A_37] : memref<4x1024xi32, #tpu.memory_space<hbm>> -> memref<1x16xi32, #tpu.memory_space<hbm>>
      %dma_start3A_152 = tpu.memref_squeeze %dma_start3A_151 : memref<1x16xi32, #tpu.memory_space<hbm>> -> memref<16xi32, #tpu.memory_space<hbm>>
      %dma_start3A_153 = tpu.memref_slice %arg5[%select_n3A, %add3A_37] : memref<4x1024xi32, #tpu.memory_space<hbm>> -> memref<1x16xi32, #tpu.memory_space<hbm>>
      %dma_start3A_154 = tpu.memref_squeeze %dma_start3A_153 : memref<1x16xi32, #tpu.memory_space<hbm>> -> memref<16xi32, #tpu.memory_space<hbm>>
      tpu.enqueue_dma source(%dma_start3A_154 : memref<16xi32, #tpu.memory_space<hbm>>) target(%arg14 : memref<16xi32, #tpu.memory_space<vmem>>) target_semaphore(%run_scoped3A : memref<!tpu.dma_semaphore, #tpu.memory_space<semaphore_mem>>)
      %dma_wait3A_155 = tpu.memref_slice %arg5[%select_n3A, %add3A_37] : memref<4x1024xi32, #tpu.memory_space<hbm>> -> memref<1x16xi32, #tpu.memory_space<hbm>>
      %dma_wait3A_156 = tpu.memref_squeeze %dma_wait3A_155 : memref<1x16xi32, #tpu.memory_space<hbm>> -> memref<16xi32, #tpu.memory_space<hbm>>
      %dma_wait3A_157 = tpu.memref_slice %arg5[%select_n3A, %add3A_37] : memref<4x1024xi32, #tpu.memory_space<hbm>> -> memref<1x16xi32, #tpu.memory_space<hbm>>
      %dma_wait3A_158 = tpu.memref_squeeze %dma_wait3A_157 : memref<1x16xi32, #tpu.memory_space<hbm>> -> memref<16xi32, #tpu.memory_space<hbm>>
      tpu.wait_dma2 semaphore(%run_scoped3A : memref<!tpu.dma_semaphore, #tpu.memory_space<semaphore_mem>>) src(%dma_wait3A_158 : memref<16xi32, #tpu.memory_space<hbm>>) dst(%arg14 : memref<16xi32, #tpu.memory_space<vmem>>)
      tpu.yield
    }) : () -> ()
    %dma_start3A = arith.constant 0 : i32
    %dma_start3A_38 = arith.constant 0 : i32
    %dma_start3A_39 = tpu.memref_slice %arg3[%dma_start3A, %dma_start3A_38] : memref<4096x2048xf32, #tpu.memory_space<hbm>> -> memref<4096x2048xf32, #tpu.memory_space<hbm>>
    tpu.enqueue_indirect_dma source(%dma_start3A_39 : memref<4096x2048xf32, #tpu.memory_space<hbm>>) target(%arg8 : memref<16x2048xf32, #tpu.memory_space<vmem>>) offsets(%arg14 : memref<16xi32, #tpu.memory_space<vmem>>) semaphore(%arg18 : memref<!tpu.dma_semaphore, #tpu.memory_space<semaphore_mem>>)
    %add3A_40 = arith.constant 16 : i32
    %add3A_41 = arith.addi %mul3A_35, %add3A_40 : i32
    "tpu.region"() ({
      %run_scoped3A = tpu.sem_alloc : memref<!tpu.dma_semaphore, #tpu.memory_space<semaphore_mem>>
      %dma_start3A_151 = tpu.memref_slice %arg4[%select_n3A, %add3A_41] : memref<4x1024xi32, #tpu.memory_space<hbm>> -> memref<1x16xi32, #tpu.memory_space<hbm>>
      %dma_start3A_152 = tpu.memref_squeeze %dma_start3A_151 : memref<1x16xi32, #tpu.memory_space<hbm>> -> memref<16xi32, #tpu.memory_space<hbm>>
      %dma_start3A_153 = tpu.memref_slice %arg4[%select_n3A, %add3A_41] : memref<4x1024xi32, #tpu.memory_space<hbm>> -> memref<1x16xi32, #tpu.memory_space<hbm>>
      %dma_start3A_154 = tpu.memref_squeeze %dma_start3A_153 : memref<1x16xi32, #tpu.memory_space<hbm>> -> memref<16xi32, #tpu.memory_space<hbm>>
      tpu.enqueue_dma source(%dma_start3A_154 : memref<16xi32, #tpu.memory_space<hbm>>) target(%arg12 : memref<16xi32, #tpu.memory_space<vmem>>) target_semaphore(%run_scoped3A : memref<!tpu.dma_semaphore, #tpu.memory_space<semaphore_mem>>)
      %dma_wait3A_155 = tpu.memref_slice %arg4[%select_n3A, %add3A_41] : memref<4x1024xi32, #tpu.memory_space<hbm>> -> memref<1x16xi32, #tpu.memory_space<hbm>>
      %dma_wait3A_156 = tpu.memref_squeeze %dma_wait3A_155 : memref<1x16xi32, #tpu.memory_space<hbm>> -> memref<16xi32, #tpu.memory_space<hbm>>
      %dma_wait3A_157 = tpu.memref_slice %arg4[%select_n3A, %add3A_41] : memref<4x1024xi32, #tpu.memory_space<hbm>> -> memref<1x16xi32, #tpu.memory_space<hbm>>
      %dma_wait3A_158 = tpu.memref_squeeze %dma_wait3A_157 : memref<1x16xi32, #tpu.memory_space<hbm>> -> memref<16xi32, #tpu.memory_space<hbm>>
      tpu.wait_dma2 semaphore(%run_scoped3A : memref<!tpu.dma_semaphore, #tpu.memory_space<semaphore_mem>>) src(%dma_wait3A_158 : memref<16xi32, #tpu.memory_space<hbm>>) dst(%arg12 : memref<16xi32, #tpu.memory_space<vmem>>)
      tpu.yield
    }) : () -> ()
    "tpu.region"() ({
      %run_scoped3A = tpu.sem_alloc : memref<!tpu.dma_semaphore, #tpu.memory_space<semaphore_mem>>
      %dma_start3A_151 = tpu.memref_slice %arg5[%select_n3A, %add3A_41] : memref<4x1024xi32, #tpu.memory_space<hbm>> -> memref<1x16xi32, #tpu.memory_space<hbm>>
      %dma_start3A_152 = tpu.memref_squeeze %dma_start3A_151 : memref<1x16xi32, #tpu.memory_space<hbm>> -> memref<16xi32, #tpu.memory_space<hbm>>
      %dma_start3A_153 = tpu.memref_slice %arg5[%select_n3A, %add3A_41] : memref<4x1024xi32, #tpu.memory_space<hbm>> -> memref<1x16xi32, #tpu.memory_space<hbm>>
      %dma_start3A_154 = tpu.memref_squeeze %dma_start3A_153 : memref<1x16xi32, #tpu.memory_space<hbm>> -> memref<16xi32, #tpu.memory_space<hbm>>
      tpu.enqueue_dma source(%dma_start3A_154 : memref<16xi32, #tpu.memory_space<hbm>>) target(%arg15 : memref<16xi32, #tpu.memory_space<vmem>>) target_semaphore(%run_scoped3A : memref<!tpu.dma_semaphore, #tpu.memory_space<semaphore_mem>>)
      %dma_wait3A_155 = tpu.memref_slice %arg5[%select_n3A, %add3A_41] : memref<4x1024xi32, #tpu.memory_space<hbm>> -> memref<1x16xi32, #tpu.memory_space<hbm>>
      %dma_wait3A_156 = tpu.memref_squeeze %dma_wait3A_155 : memref<1x16xi32, #tpu.memory_space<hbm>> -> memref<16xi32, #tpu.memory_space<hbm>>
      %dma_wait3A_157 = tpu.memref_slice %arg5[%select_n3A, %add3A_41] : memref<4x1024xi32, #tpu.memory_space<hbm>> -> memref<1x16xi32, #tpu.memory_space<hbm>>
      %dma_wait3A_158 = tpu.memref_squeeze %dma_wait3A_157 : memref<1x16xi32, #tpu.memory_space<hbm>> -> memref<16xi32, #tpu.memory_space<hbm>>
      tpu.wait_dma2 semaphore(%run_scoped3A : memref<!tpu.dma_semaphore, #tpu.memory_space<semaphore_mem>>) src(%dma_wait3A_158 : memref<16xi32, #tpu.memory_space<hbm>>) dst(%arg15 : memref<16xi32, #tpu.memory_space<vmem>>)
      tpu.yield
    }) : () -> ()
    %dma_start3A_42 = arith.constant 0 : i32
    %dma_start3A_43 = arith.constant 0 : i32
    %dma_start3A_44 = tpu.memref_slice %arg3[%dma_start3A_42, %dma_start3A_43] : memref<4096x2048xf32, #tpu.memory_space<hbm>> -> memref<4096x2048xf32, #tpu.memory_space<hbm>>
    tpu.enqueue_indirect_dma source(%dma_start3A_44 : memref<4096x2048xf32, #tpu.memory_space<hbm>>) target(%arg9 : memref<16x2048xf32, #tpu.memory_space<vmem>>) offsets(%arg15 : memref<16xi32, #tpu.memory_space<vmem>>) semaphore(%arg19 : memref<!tpu.dma_semaphore, #tpu.memory_space<semaphore_mem>>)
    %add3A_45 = arith.constant 32 : i32
    %add3A_46 = arith.addi %mul3A_35, %add3A_45 : i32
    "tpu.region"() ({
      %run_scoped3A = tpu.sem_alloc : memref<!tpu.dma_semaphore, #tpu.memory_space<semaphore_mem>>
      %dma_start3A_151 = tpu.memref_slice %arg4[%select_n3A, %add3A_46] : memref<4x1024xi32, #tpu.memory_space<hbm>> -> memref<1x16xi32, #tpu.memory_space<hbm>>
      %dma_start3A_152 = tpu.memref_squeeze %dma_start3A_151 : memref<1x16xi32, #tpu.memory_space<hbm>> -> memref<16xi32, #tpu.memory_space<hbm>>
      %dma_start3A_153 = tpu.memref_slice %arg4[%select_n3A, %add3A_46] : memref<4x1024xi32, #tpu.memory_space<hbm>> -> memref<1x16xi32, #tpu.memory_space<hbm>>
      %dma_start3A_154 = tpu.memref_squeeze %dma_start3A_153 : memref<1x16xi32, #tpu.memory_space<hbm>> -> memref<16xi32, #tpu.memory_space<hbm>>
      tpu.enqueue_dma source(%dma_start3A_154 : memref<16xi32, #tpu.memory_space<hbm>>) target(%arg13 : memref<16xi32, #tpu.memory_space<vmem>>) target_semaphore(%run_scoped3A : memref<!tpu.dma_semaphore, #tpu.memory_space<semaphore_mem>>)
      %dma_wait3A_155 = tpu.memref_slice %arg4[%select_n3A, %add3A_46] : memref<4x1024xi32, #tpu.memory_space<hbm>> -> memref<1x16xi32, #tpu.memory_space<hbm>>
      %dma_wait3A_156 = tpu.memref_squeeze %dma_wait3A_155 : memref<1x16xi32, #tpu.memory_space<hbm>> -> memref<16xi32, #tpu.memory_space<hbm>>
      %dma_wait3A_157 = tpu.memref_slice %arg4[%select_n3A, %add3A_46] : memref<4x1024xi32, #tpu.memory_space<hbm>> -> memref<1x16xi32, #tpu.memory_space<hbm>>
      %dma_wait3A_158 = tpu.memref_squeeze %dma_wait3A_157 : memref<1x16xi32, #tpu.memory_space<hbm>> -> memref<16xi32, #tpu.memory_space<hbm>>
      tpu.wait_dma2 semaphore(%run_scoped3A : memref<!tpu.dma_semaphore, #tpu.memory_space<semaphore_mem>>) src(%dma_wait3A_158 : memref<16xi32, #tpu.memory_space<hbm>>) dst(%arg13 : memref<16xi32, #tpu.memory_space<vmem>>)
      tpu.yield
    }) : () -> ()
    "tpu.region"() ({
      %run_scoped3A = tpu.sem_alloc : memref<!tpu.dma_semaphore, #tpu.memory_space<semaphore_mem>>
      %dma_start3A_151 = tpu.memref_slice %arg5[%select_n3A, %add3A_46] : memref<4x1024xi32, #tpu.memory_space<hbm>> -> memref<1x16xi32, #tpu.memory_space<hbm>>
      %dma_start3A_152 = tpu.memref_squeeze %dma_start3A_151 : memref<1x16xi32, #tpu.memory_space<hbm>> -> memref<16xi32, #tpu.memory_space<hbm>>
      %dma_start3A_153 = tpu.memref_slice %arg5[%select_n3A, %add3A_46] : memref<4x1024xi32, #tpu.memory_space<hbm>> -> memref<1x16xi32, #tpu.memory_space<hbm>>
      %dma_start3A_154 = tpu.memref_squeeze %dma_start3A_153 : memref<1x16xi32, #tpu.memory_space<hbm>> -> memref<16xi32, #tpu.memory_space<hbm>>
      tpu.enqueue_dma source(%dma_start3A_154 : memref<16xi32, #tpu.memory_space<hbm>>) target(%arg16 : memref<16xi32, #tpu.memory_space<vmem>>) target_semaphore(%run_scoped3A : memref<!tpu.dma_semaphore, #tpu.memory_space<semaphore_mem>>)
      %dma_wait3A_155 = tpu.memref_slice %arg5[%select_n3A, %add3A_46] : memref<4x1024xi32, #tpu.memory_space<hbm>> -> memref<1x16xi32, #tpu.memory_space<hbm>>
      %dma_wait3A_156 = tpu.memref_squeeze %dma_wait3A_155 : memref<1x16xi32, #tpu.memory_space<hbm>> -> memref<16xi32, #tpu.memory_space<hbm>>
      %dma_wait3A_157 = tpu.memref_slice %arg5[%select_n3A, %add3A_46] : memref<4x1024xi32, #tpu.memory_space<hbm>> -> memref<1x16xi32, #tpu.memory_space<hbm>>
      %dma_wait3A_158 = tpu.memref_squeeze %dma_wait3A_157 : memref<1x16xi32, #tpu.memory_space<hbm>> -> memref<16xi32, #tpu.memory_space<hbm>>
      tpu.wait_dma2 semaphore(%run_scoped3A : memref<!tpu.dma_semaphore, #tpu.memory_space<semaphore_mem>>) src(%dma_wait3A_158 : memref<16xi32, #tpu.memory_space<hbm>>) dst(%arg16 : memref<16xi32, #tpu.memory_space<vmem>>)
      tpu.yield
    }) : () -> ()
    %dma_start3A_47 = arith.constant 0 : i32
    %dma_start3A_48 = arith.constant 0 : i32
    %dma_start3A_49 = tpu.memref_slice %arg3[%dma_start3A_47, %dma_start3A_48] : memref<4096x2048xf32, #tpu.memory_space<hbm>> -> memref<4096x2048xf32, #tpu.memory_space<hbm>>
    tpu.enqueue_indirect_dma source(%dma_start3A_49 : memref<4096x2048xf32, #tpu.memory_space<hbm>>) target(%arg10 : memref<16x2048xf32, #tpu.memory_space<vmem>>) offsets(%arg16 : memref<16xi32, #tpu.memory_space<vmem>>) semaphore(%arg20 : memref<!tpu.dma_semaphore, #tpu.memory_space<semaphore_mem>>)
    %dma_wait3A = arith.constant 0 : i32
    %dma_wait3A_50 = arith.constant 0 : i32
    %dma_wait3A_51 = tpu.memref_slice %arg3[%dma_wait3A, %dma_wait3A_50] : memref<4096x2048xf32, #tpu.memory_space<hbm>> -> memref<4096x2048xf32, #tpu.memory_space<hbm>>
    tpu.wait_indirect_dma semaphore(%arg18 : memref<!tpu.dma_semaphore, #tpu.memory_space<semaphore_mem>>) src(%dma_wait3A_51 : memref<4096x2048xf32, #tpu.memory_space<hbm>>) dst(%arg8 : memref<16x2048xf32, #tpu.memory_space<vmem>>)
    %dma_start3A_52 = arith.constant 0 : i32
    %dma_start3A_53 = arith.constant 0 : i32
    %dma_start3A_54 = tpu.memref_slice %arg6[%dma_start3A_52, %dma_start3A_53] : memref<32768x2048xf32, #tpu.memory_space<hbm>> -> memref<32768x2048xf32, #tpu.memory_space<hbm>>
    tpu.enqueue_indirect_dma source(%arg8 : memref<16x2048xf32, #tpu.memory_space<vmem>>) target(%dma_start3A_54 : memref<32768x2048xf32, #tpu.memory_space<hbm>>) offsets(%arg11 : memref<16xi32, #tpu.memory_space<vmem>>) semaphore(%arg21 : memref<!tpu.dma_semaphore, #tpu.memory_space<semaphore_mem>>)
    %dma_wait3A_55 = arith.constant 0 : i32
    %dma_wait3A_56 = arith.constant 0 : i32
    %dma_wait3A_57 = tpu.memref_slice %arg6[%dma_wait3A_55, %dma_wait3A_56] : memref<32768x2048xf32, #tpu.memory_space<hbm>> -> memref<32768x2048xf32, #tpu.memory_space<hbm>>
    tpu.wait_indirect_dma semaphore(%arg21 : memref<!tpu.dma_semaphore, #tpu.memory_space<semaphore_mem>>) src(%arg8 : memref<16x2048xf32, #tpu.memory_space<vmem>>) dst(%dma_wait3A_57 : memref<32768x2048xf32, #tpu.memory_space<hbm>>)
    %add3A_58 = arith.constant 48 : i32
    %add3A_59 = arith.addi %mul3A_35, %add3A_58 : i32
    "tpu.region"() ({
      %run_scoped3A = tpu.sem_alloc : memref<!tpu.dma_semaphore, #tpu.memory_space<semaphore_mem>>
      %dma_start3A_151 = tpu.memref_slice %arg4[%select_n3A, %add3A_59] : memref<4x1024xi32, #tpu.memory_space<hbm>> -> memref<1x16xi32, #tpu.memory_space<hbm>>
      %dma_start3A_152 = tpu.memref_squeeze %dma_start3A_151 : memref<1x16xi32, #tpu.memory_space<hbm>> -> memref<16xi32, #tpu.memory_space<hbm>>
      %dma_start3A_153 = tpu.memref_slice %arg4[%select_n3A, %add3A_59] : memref<4x1024xi32, #tpu.memory_space<hbm>> -> memref<1x16xi32, #tpu.memory_space<hbm>>
      %dma_start3A_154 = tpu.memref_squeeze %dma_start3A_153 : memref<1x16xi32, #tpu.memory_space<hbm>> -> memref<16xi32, #tpu.memory_space<hbm>>
      tpu.enqueue_dma source(%dma_start3A_154 : memref<16xi32, #tpu.memory_space<hbm>>) target(%arg11 : memref<16xi32, #tpu.memory_space<vmem>>) target_semaphore(%run_scoped3A : memref<!tpu.dma_semaphore, #tpu.memory_space<semaphore_mem>>)
      %dma_wait3A_155 = tpu.memref_slice %arg4[%select_n3A, %add3A_59] : memref<4x1024xi32, #tpu.memory_space<hbm>> -> memref<1x16xi32, #tpu.memory_space<hbm>>
      %dma_wait3A_156 = tpu.memref_squeeze %dma_wait3A_155 : memref<1x16xi32, #tpu.memory_space<hbm>> -> memref<16xi32, #tpu.memory_space<hbm>>
      %dma_wait3A_157 = tpu.memref_slice %arg4[%select_n3A, %add3A_59] : memref<4x1024xi32, #tpu.memory_space<hbm>> -> memref<1x16xi32, #tpu.memory_space<hbm>>
      %dma_wait3A_158 = tpu.memref_squeeze %dma_wait3A_157 : memref<1x16xi32, #tpu.memory_space<hbm>> -> memref<16xi32, #tpu.memory_space<hbm>>
      tpu.wait_dma2 semaphore(%run_scoped3A : memref<!tpu.dma_semaphore, #tpu.memory_space<semaphore_mem>>) src(%dma_wait3A_158 : memref<16xi32, #tpu.memory_space<hbm>>) dst(%arg11 : memref<16xi32, #tpu.memory_space<vmem>>)
      tpu.yield
    }) : () -> ()
    "tpu.region"() ({
      %run_scoped3A = tpu.sem_alloc : memref<!tpu.dma_semaphore, #tpu.memory_space<semaphore_mem>>
      %dma_start3A_151 = tpu.memref_slice %arg5[%select_n3A, %add3A_59] : memref<4x1024xi32, #tpu.memory_space<hbm>> -> memref<1x16xi32, #tpu.memory_space<hbm>>
      %dma_start3A_152 = tpu.memref_squeeze %dma_start3A_151 : memref<1x16xi32, #tpu.memory_space<hbm>> -> memref<16xi32, #tpu.memory_space<hbm>>
      %dma_start3A_153 = tpu.memref_slice %arg5[%select_n3A, %add3A_59] : memref<4x1024xi32, #tpu.memory_space<hbm>> -> memref<1x16xi32, #tpu.memory_space<hbm>>
      %dma_start3A_154 = tpu.memref_squeeze %dma_start3A_153 : memref<1x16xi32, #tpu.memory_space<hbm>> -> memref<16xi32, #tpu.memory_space<hbm>>
      tpu.enqueue_dma source(%dma_start3A_154 : memref<16xi32, #tpu.memory_space<hbm>>) target(%arg14 : memref<16xi32, #tpu.memory_space<vmem>>) target_semaphore(%run_scoped3A : memref<!tpu.dma_semaphore, #tpu.memory_space<semaphore_mem>>)
      %dma_wait3A_155 = tpu.memref_slice %arg5[%select_n3A, %add3A_59] : memref<4x1024xi32, #tpu.memory_space<hbm>> -> memref<1x16xi32, #tpu.memory_space<hbm>>
      %dma_wait3A_156 = tpu.memref_squeeze %dma_wait3A_155 : memref<1x16xi32, #tpu.memory_space<hbm>> -> memref<16xi32, #tpu.memory_space<hbm>>
      %dma_wait3A_157 = tpu.memref_slice %arg5[%select_n3A, %add3A_59] : memref<4x1024xi32, #tpu.memory_space<hbm>> -> memref<1x16xi32, #tpu.memory_space<hbm>>
      %dma_wait3A_158 = tpu.memref_squeeze %dma_wait3A_157 : memref<1x16xi32, #tpu.memory_space<hbm>> -> memref<16xi32, #tpu.memory_space<hbm>>
      tpu.wait_dma2 semaphore(%run_scoped3A : memref<!tpu.dma_semaphore, #tpu.memory_space<semaphore_mem>>) src(%dma_wait3A_158 : memref<16xi32, #tpu.memory_space<hbm>>) dst(%arg14 : memref<16xi32, #tpu.memory_space<vmem>>)
      tpu.yield
    }) : () -> ()
    %dma_start3A_60 = arith.constant 0 : i32
    %dma_start3A_61 = arith.constant 0 : i32
    %dma_start3A_62 = tpu.memref_slice %arg3[%dma_start3A_60, %dma_start3A_61] : memref<4096x2048xf32, #tpu.memory_space<hbm>> -> memref<4096x2048xf32, #tpu.memory_space<hbm>>
    tpu.enqueue_indirect_dma source(%dma_start3A_62 : memref<4096x2048xf32, #tpu.memory_space<hbm>>) target(%arg8 : memref<16x2048xf32, #tpu.memory_space<vmem>>) offsets(%arg14 : memref<16xi32, #tpu.memory_space<vmem>>) semaphore(%arg18 : memref<!tpu.dma_semaphore, #tpu.memory_space<semaphore_mem>>)
    %dma_wait3A_63 = arith.constant 0 : i32
    %dma_wait3A_64 = arith.constant 0 : i32
    %dma_wait3A_65 = tpu.memref_slice %arg3[%dma_wait3A_63, %dma_wait3A_64] : memref<4096x2048xf32, #tpu.memory_space<hbm>> -> memref<4096x2048xf32, #tpu.memory_space<hbm>>
    tpu.wait_indirect_dma semaphore(%arg19 : memref<!tpu.dma_semaphore, #tpu.memory_space<semaphore_mem>>) src(%dma_wait3A_65 : memref<4096x2048xf32, #tpu.memory_space<hbm>>) dst(%arg9 : memref<16x2048xf32, #tpu.memory_space<vmem>>)
    %dma_start3A_66 = arith.constant 0 : i32
    %dma_start3A_67 = arith.constant 0 : i32
    %dma_start3A_68 = tpu.memref_slice %arg6[%dma_start3A_66, %dma_start3A_67] : memref<32768x2048xf32, #tpu.memory_space<hbm>> -> memref<32768x2048xf32, #tpu.memory_space<hbm>>
    tpu.enqueue_indirect_dma source(%arg9 : memref<16x2048xf32, #tpu.memory_space<vmem>>) target(%dma_start3A_68 : memref<32768x2048xf32, #tpu.memory_space<hbm>>) offsets(%arg12 : memref<16xi32, #tpu.memory_space<vmem>>) semaphore(%arg22 : memref<!tpu.dma_semaphore, #tpu.memory_space<semaphore_mem>>)
    %dma_wait3A_69 = arith.constant 0 : i32
    %dma_wait3A_70 = arith.constant 0 : i32
    %dma_wait3A_71 = tpu.memref_slice %arg6[%dma_wait3A_69, %dma_wait3A_70] : memref<32768x2048xf32, #tpu.memory_space<hbm>> -> memref<32768x2048xf32, #tpu.memory_space<hbm>>
    tpu.wait_indirect_dma semaphore(%arg22 : memref<!tpu.dma_semaphore, #tpu.memory_space<semaphore_mem>>) src(%arg9 : memref<16x2048xf32, #tpu.memory_space<vmem>>) dst(%dma_wait3A_71 : memref<32768x2048xf32, #tpu.memory_space<hbm>>)
    %add3A_72 = arith.constant 64 : i32
    %add3A_73 = arith.addi %mul3A_35, %add3A_72 : i32
    "tpu.region"() ({
      %run_scoped3A = tpu.sem_alloc : memref<!tpu.dma_semaphore, #tpu.memory_space<semaphore_mem>>
      %dma_start3A_151 = tpu.memref_slice %arg4[%select_n3A, %add3A_73] : memref<4x1024xi32, #tpu.memory_space<hbm>> -> memref<1x16xi32, #tpu.memory_space<hbm>>
      %dma_start3A_152 = tpu.memref_squeeze %dma_start3A_151 : memref<1x16xi32, #tpu.memory_space<hbm>> -> memref<16xi32, #tpu.memory_space<hbm>>
      %dma_start3A_153 = tpu.memref_slice %arg4[%select_n3A, %add3A_73] : memref<4x1024xi32, #tpu.memory_space<hbm>> -> memref<1x16xi32, #tpu.memory_space<hbm>>
      %dma_start3A_154 = tpu.memref_squeeze %dma_start3A_153 : memref<1x16xi32, #tpu.memory_space<hbm>> -> memref<16xi32, #tpu.memory_space<hbm>>
      tpu.enqueue_dma source(%dma_start3A_154 : memref<16xi32, #tpu.memory_space<hbm>>) target(%arg12 : memref<16xi32, #tpu.memory_space<vmem>>) target_semaphore(%run_scoped3A : memref<!tpu.dma_semaphore, #tpu.memory_space<semaphore_mem>>)
      %dma_wait3A_155 = tpu.memref_slice %arg4[%select_n3A, %add3A_73] : memref<4x1024xi32, #tpu.memory_space<hbm>> -> memref<1x16xi32, #tpu.memory_space<hbm>>
      %dma_wait3A_156 = tpu.memref_squeeze %dma_wait3A_155 : memref<1x16xi32, #tpu.memory_space<hbm>> -> memref<16xi32, #tpu.memory_space<hbm>>
      %dma_wait3A_157 = tpu.memref_slice %arg4[%select_n3A, %add3A_73] : memref<4x1024xi32, #tpu.memory_space<hbm>> -> memref<1x16xi32, #tpu.memory_space<hbm>>
      %dma_wait3A_158 = tpu.memref_squeeze %dma_wait3A_157 : memref<1x16xi32, #tpu.memory_space<hbm>> -> memref<16xi32, #tpu.memory_space<hbm>>
      tpu.wait_dma2 semaphore(%run_scoped3A : memref<!tpu.dma_semaphore, #tpu.memory_space<semaphore_mem>>) src(%dma_wait3A_158 : memref<16xi32, #tpu.memory_space<hbm>>) dst(%arg12 : memref<16xi32, #tpu.memory_space<vmem>>)
      tpu.yield
    }) : () -> ()
    "tpu.region"() ({
      %run_scoped3A = tpu.sem_alloc : memref<!tpu.dma_semaphore, #tpu.memory_space<semaphore_mem>>
      %dma_start3A_151 = tpu.memref_slice %arg5[%select_n3A, %add3A_73] : memref<4x1024xi32, #tpu.memory_space<hbm>> -> memref<1x16xi32, #tpu.memory_space<hbm>>
      %dma_start3A_152 = tpu.memref_squeeze %dma_start3A_151 : memref<1x16xi32, #tpu.memory_space<hbm>> -> memref<16xi32, #tpu.memory_space<hbm>>
      %dma_start3A_153 = tpu.memref_slice %arg5[%select_n3A, %add3A_73] : memref<4x1024xi32, #tpu.memory_space<hbm>> -> memref<1x16xi32, #tpu.memory_space<hbm>>
      %dma_start3A_154 = tpu.memref_squeeze %dma_start3A_153 : memref<1x16xi32, #tpu.memory_space<hbm>> -> memref<16xi32, #tpu.memory_space<hbm>>
      tpu.enqueue_dma source(%dma_start3A_154 : memref<16xi32, #tpu.memory_space<hbm>>) target(%arg15 : memref<16xi32, #tpu.memory_space<vmem>>) target_semaphore(%run_scoped3A : memref<!tpu.dma_semaphore, #tpu.memory_space<semaphore_mem>>)
      %dma_wait3A_155 = tpu.memref_slice %arg5[%select_n3A, %add3A_73] : memref<4x1024xi32, #tpu.memory_space<hbm>> -> memref<1x16xi32, #tpu.memory_space<hbm>>
      %dma_wait3A_156 = tpu.memref_squeeze %dma_wait3A_155 : memref<1x16xi32, #tpu.memory_space<hbm>> -> memref<16xi32, #tpu.memory_space<hbm>>
      %dma_wait3A_157 = tpu.memref_slice %arg5[%select_n3A, %add3A_73] : memref<4x1024xi32, #tpu.memory_space<hbm>> -> memref<1x16xi32, #tpu.memory_space<hbm>>
      %dma_wait3A_158 = tpu.memref_squeeze %dma_wait3A_157 : memref<1x16xi32, #tpu.memory_space<hbm>> -> memref<16xi32, #tpu.memory_space<hbm>>
      tpu.wait_dma2 semaphore(%run_scoped3A : memref<!tpu.dma_semaphore, #tpu.memory_space<semaphore_mem>>) src(%dma_wait3A_158 : memref<16xi32, #tpu.memory_space<hbm>>) dst(%arg15 : memref<16xi32, #tpu.memory_space<vmem>>)
      tpu.yield
    }) : () -> ()
    %dma_start3A_74 = arith.constant 0 : i32
    %dma_start3A_75 = arith.constant 0 : i32
    %dma_start3A_76 = tpu.memref_slice %arg3[%dma_start3A_74, %dma_start3A_75] : memref<4096x2048xf32, #tpu.memory_space<hbm>> -> memref<4096x2048xf32, #tpu.memory_space<hbm>>
    tpu.enqueue_indirect_dma source(%dma_start3A_76 : memref<4096x2048xf32, #tpu.memory_space<hbm>>) target(%arg9 : memref<16x2048xf32, #tpu.memory_space<vmem>>) offsets(%arg15 : memref<16xi32, #tpu.memory_space<vmem>>) semaphore(%arg19 : memref<!tpu.dma_semaphore, #tpu.memory_space<semaphore_mem>>)
    %dma_wait3A_77 = arith.constant 0 : i32
    %dma_wait3A_78 = arith.constant 0 : i32
    %dma_wait3A_79 = tpu.memref_slice %arg3[%dma_wait3A_77, %dma_wait3A_78] : memref<4096x2048xf32, #tpu.memory_space<hbm>> -> memref<4096x2048xf32, #tpu.memory_space<hbm>>
    tpu.wait_indirect_dma semaphore(%arg20 : memref<!tpu.dma_semaphore, #tpu.memory_space<semaphore_mem>>) src(%dma_wait3A_79 : memref<4096x2048xf32, #tpu.memory_space<hbm>>) dst(%arg10 : memref<16x2048xf32, #tpu.memory_space<vmem>>)
    %dma_start3A_80 = arith.constant 0 : i32
    %dma_start3A_81 = arith.constant 0 : i32
    %dma_start3A_82 = tpu.memref_slice %arg6[%dma_start3A_80, %dma_start3A_81] : memref<32768x2048xf32, #tpu.memory_space<hbm>> -> memref<32768x2048xf32, #tpu.memory_space<hbm>>
    tpu.enqueue_indirect_dma source(%arg10 : memref<16x2048xf32, #tpu.memory_space<vmem>>) target(%dma_start3A_82 : memref<32768x2048xf32, #tpu.memory_space<hbm>>) offsets(%arg13 : memref<16xi32, #tpu.memory_space<vmem>>) semaphore(%arg23 : memref<!tpu.dma_semaphore, #tpu.memory_space<semaphore_mem>>)
    %dma_wait3A_83 = arith.constant 0 : i32
    %dma_wait3A_84 = arith.constant 0 : i32
    %dma_wait3A_85 = tpu.memref_slice %arg6[%dma_wait3A_83, %dma_wait3A_84] : memref<32768x2048xf32, #tpu.memory_space<hbm>> -> memref<32768x2048xf32, #tpu.memory_space<hbm>>
    tpu.wait_indirect_dma semaphore(%arg23 : memref<!tpu.dma_semaphore, #tpu.memory_space<semaphore_mem>>) src(%arg10 : memref<16x2048xf32, #tpu.memory_space<vmem>>) dst(%dma_wait3A_85 : memref<32768x2048xf32, #tpu.memory_space<hbm>>)
    %add3A_86 = arith.constant 80 : i32
    %add3A_87 = arith.addi %mul3A_35, %add3A_86 : i32
    "tpu.region"() ({
      %run_scoped3A = tpu.sem_alloc : memref<!tpu.dma_semaphore, #tpu.memory_space<semaphore_mem>>
      %dma_start3A_151 = tpu.memref_slice %arg4[%select_n3A, %add3A_87] : memref<4x1024xi32, #tpu.memory_space<hbm>> -> memref<1x16xi32, #tpu.memory_space<hbm>>
      %dma_start3A_152 = tpu.memref_squeeze %dma_start3A_151 : memref<1x16xi32, #tpu.memory_space<hbm>> -> memref<16xi32, #tpu.memory_space<hbm>>
      %dma_start3A_153 = tpu.memref_slice %arg4[%select_n3A, %add3A_87] : memref<4x1024xi32, #tpu.memory_space<hbm>> -> memref<1x16xi32, #tpu.memory_space<hbm>>
      %dma_start3A_154 = tpu.memref_squeeze %dma_start3A_153 : memref<1x16xi32, #tpu.memory_space<hbm>> -> memref<16xi32, #tpu.memory_space<hbm>>
      tpu.enqueue_dma source(%dma_start3A_154 : memref<16xi32, #tpu.memory_space<hbm>>) target(%arg13 : memref<16xi32, #tpu.memory_space<vmem>>) target_semaphore(%run_scoped3A : memref<!tpu.dma_semaphore, #tpu.memory_space<semaphore_mem>>)
      %dma_wait3A_155 = tpu.memref_slice %arg4[%select_n3A, %add3A_87] : memref<4x1024xi32, #tpu.memory_space<hbm>> -> memref<1x16xi32, #tpu.memory_space<hbm>>
      %dma_wait3A_156 = tpu.memref_squeeze %dma_wait3A_155 : memref<1x16xi32, #tpu.memory_space<hbm>> -> memref<16xi32, #tpu.memory_space<hbm>>
      %dma_wait3A_157 = tpu.memref_slice %arg4[%select_n3A, %add3A_87] : memref<4x1024xi32, #tpu.memory_space<hbm>> -> memref<1x16xi32, #tpu.memory_space<hbm>>
      %dma_wait3A_158 = tpu.memref_squeeze %dma_wait3A_157 : memref<1x16xi32, #tpu.memory_space<hbm>> -> memref<16xi32, #tpu.memory_space<hbm>>
      tpu.wait_dma2 semaphore(%run_scoped3A : memref<!tpu.dma_semaphore, #tpu.memory_space<semaphore_mem>>) src(%dma_wait3A_158 : memref<16xi32, #tpu.memory_space<hbm>>) dst(%arg13 : memref<16xi32, #tpu.memory_space<vmem>>)
      tpu.yield
    }) : () -> ()
    "tpu.region"() ({
      %run_scoped3A = tpu.sem_alloc : memref<!tpu.dma_semaphore, #tpu.memory_space<semaphore_mem>>
      %dma_start3A_151 = tpu.memref_slice %arg5[%select_n3A, %add3A_87] : memref<4x1024xi32, #tpu.memory_space<hbm>> -> memref<1x16xi32, #tpu.memory_space<hbm>>
      %dma_start3A_152 = tpu.memref_squeeze %dma_start3A_151 : memref<1x16xi32, #tpu.memory_space<hbm>> -> memref<16xi32, #tpu.memory_space<hbm>>
      %dma_start3A_153 = tpu.memref_slice %arg5[%select_n3A, %add3A_87] : memref<4x1024xi32, #tpu.memory_space<hbm>> -> memref<1x16xi32, #tpu.memory_space<hbm>>
      %dma_start3A_154 = tpu.memref_squeeze %dma_start3A_153 : memref<1x16xi32, #tpu.memory_space<hbm>> -> memref<16xi32, #tpu.memory_space<hbm>>
      tpu.enqueue_dma source(%dma_start3A_154 : memref<16xi32, #tpu.memory_space<hbm>>) target(%arg16 : memref<16xi32, #tpu.memory_space<vmem>>) target_semaphore(%run_scoped3A : memref<!tpu.dma_semaphore, #tpu.memory_space<semaphore_mem>>)
      %dma_wait3A_155 = tpu.memref_slice %arg5[%select_n3A, %add3A_87] : memref<4x1024xi32, #tpu.memory_space<hbm>> -> memref<1x16xi32, #tpu.memory_space<hbm>>
      %dma_wait3A_156 = tpu.memref_squeeze %dma_wait3A_155 : memref<1x16xi32, #tpu.memory_space<hbm>> -> memref<16xi32, #tpu.memory_space<hbm>>
      %dma_wait3A_157 = tpu.memref_slice %arg5[%select_n3A, %add3A_87] : memref<4x1024xi32, #tpu.memory_space<hbm>> -> memref<1x16xi32, #tpu.memory_space<hbm>>
      %dma_wait3A_158 = tpu.memref_squeeze %dma_wait3A_157 : memref<1x16xi32, #tpu.memory_space<hbm>> -> memref<16xi32, #tpu.memory_space<hbm>>
      tpu.wait_dma2 semaphore(%run_scoped3A : memref<!tpu.dma_semaphore, #tpu.memory_space<semaphore_mem>>) src(%dma_wait3A_158 : memref<16xi32, #tpu.memory_space<hbm>>) dst(%arg16 : memref<16xi32, #tpu.memory_space<vmem>>)
      tpu.yield
    }) : () -> ()
    %dma_start3A_88 = arith.constant 0 : i32
    %dma_start3A_89 = arith.constant 0 : i32
    %dma_start3A_90 = tpu.memref_slice %arg3[%dma_start3A_88, %dma_start3A_89] : memref<4096x2048xf32, #tpu.memory_space<hbm>> -> memref<4096x2048xf32, #tpu.memory_space<hbm>>
    tpu.enqueue_indirect_dma source(%dma_start3A_90 : memref<4096x2048xf32, #tpu.memory_space<hbm>>) target(%arg10 : memref<16x2048xf32, #tpu.memory_space<vmem>>) offsets(%arg16 : memref<16xi32, #tpu.memory_space<vmem>>) semaphore(%arg20 : memref<!tpu.dma_semaphore, #tpu.memory_space<semaphore_mem>>)
    %dma_wait3A_91 = arith.constant 0 : i32
    %dma_wait3A_92 = arith.constant 0 : i32
    %dma_wait3A_93 = tpu.memref_slice %arg3[%dma_wait3A_91, %dma_wait3A_92] : memref<4096x2048xf32, #tpu.memory_space<hbm>> -> memref<4096x2048xf32, #tpu.memory_space<hbm>>
    tpu.wait_indirect_dma semaphore(%arg18 : memref<!tpu.dma_semaphore, #tpu.memory_space<semaphore_mem>>) src(%dma_wait3A_93 : memref<4096x2048xf32, #tpu.memory_space<hbm>>) dst(%arg8 : memref<16x2048xf32, #tpu.memory_space<vmem>>)
    %dma_start3A_94 = arith.constant 0 : i32
    %dma_start3A_95 = arith.constant 0 : i32
    %dma_start3A_96 = tpu.memref_slice %arg6[%dma_start3A_94, %dma_start3A_95] : memref<32768x2048xf32, #tpu.memory_space<hbm>> -> memref<32768x2048xf32, #tpu.memory_space<hbm>>
    tpu.enqueue_indirect_dma source(%arg8 : memref<16x2048xf32, #tpu.memory_space<vmem>>) target(%dma_start3A_96 : memref<32768x2048xf32, #tpu.memory_space<hbm>>) offsets(%arg11 : memref<16xi32, #tpu.memory_space<vmem>>) semaphore(%arg21 : memref<!tpu.dma_semaphore, #tpu.memory_space<semaphore_mem>>)
    %dma_wait3A_97 = arith.constant 0 : i32
    %dma_wait3A_98 = arith.constant 0 : i32
    %dma_wait3A_99 = tpu.memref_slice %arg6[%dma_wait3A_97, %dma_wait3A_98] : memref<32768x2048xf32, #tpu.memory_space<hbm>> -> memref<32768x2048xf32, #tpu.memory_space<hbm>>
    tpu.wait_indirect_dma semaphore(%arg21 : memref<!tpu.dma_semaphore, #tpu.memory_space<semaphore_mem>>) src(%arg8 : memref<16x2048xf32, #tpu.memory_space<vmem>>) dst(%dma_wait3A_99 : memref<32768x2048xf32, #tpu.memory_space<hbm>>)
    %add3A_100 = arith.constant 96 : i32
    %add3A_101 = arith.addi %mul3A_35, %add3A_100 : i32
    "tpu.region"() ({
      %run_scoped3A = tpu.sem_alloc : memref<!tpu.dma_semaphore, #tpu.memory_space<semaphore_mem>>
      %dma_start3A_151 = tpu.memref_slice %arg4[%select_n3A, %add3A_101] : memref<4x1024xi32, #tpu.memory_space<hbm>> -> memref<1x16xi32, #tpu.memory_space<hbm>>
      %dma_start3A_152 = tpu.memref_squeeze %dma_start3A_151 : memref<1x16xi32, #tpu.memory_space<hbm>> -> memref<16xi32, #tpu.memory_space<hbm>>
      %dma_start3A_153 = tpu.memref_slice %arg4[%select_n3A, %add3A_101] : memref<4x1024xi32, #tpu.memory_space<hbm>> -> memref<1x16xi32, #tpu.memory_space<hbm>>
      %dma_start3A_154 = tpu.memref_squeeze %dma_start3A_153 : memref<1x16xi32, #tpu.memory_space<hbm>> -> memref<16xi32, #tpu.memory_space<hbm>>
      tpu.enqueue_dma source(%dma_start3A_154 : memref<16xi32, #tpu.memory_space<hbm>>) target(%arg11 : memref<16xi32, #tpu.memory_space<vmem>>) target_semaphore(%run_scoped3A : memref<!tpu.dma_semaphore, #tpu.memory_space<semaphore_mem>>)
      %dma_wait3A_155 = tpu.memref_slice %arg4[%select_n3A, %add3A_101] : memref<4x1024xi32, #tpu.memory_space<hbm>> -> memref<1x16xi32, #tpu.memory_space<hbm>>
      %dma_wait3A_156 = tpu.memref_squeeze %dma_wait3A_155 : memref<1x16xi32, #tpu.memory_space<hbm>> -> memref<16xi32, #tpu.memory_space<hbm>>
      %dma_wait3A_157 = tpu.memref_slice %arg4[%select_n3A, %add3A_101] : memref<4x1024xi32, #tpu.memory_space<hbm>> -> memref<1x16xi32, #tpu.memory_space<hbm>>
      %dma_wait3A_158 = tpu.memref_squeeze %dma_wait3A_157 : memref<1x16xi32, #tpu.memory_space<hbm>> -> memref<16xi32, #tpu.memory_space<hbm>>
      tpu.wait_dma2 semaphore(%run_scoped3A : memref<!tpu.dma_semaphore, #tpu.memory_space<semaphore_mem>>) src(%dma_wait3A_158 : memref<16xi32, #tpu.memory_space<hbm>>) dst(%arg11 : memref<16xi32, #tpu.memory_space<vmem>>)
      tpu.yield
    }) : () -> ()
    "tpu.region"() ({
      %run_scoped3A = tpu.sem_alloc : memref<!tpu.dma_semaphore, #tpu.memory_space<semaphore_mem>>
      %dma_start3A_151 = tpu.memref_slice %arg5[%select_n3A, %add3A_101] : memref<4x1024xi32, #tpu.memory_space<hbm>> -> memref<1x16xi32, #tpu.memory_space<hbm>>
      %dma_start3A_152 = tpu.memref_squeeze %dma_start3A_151 : memref<1x16xi32, #tpu.memory_space<hbm>> -> memref<16xi32, #tpu.memory_space<hbm>>
      %dma_start3A_153 = tpu.memref_slice %arg5[%select_n3A, %add3A_101] : memref<4x1024xi32, #tpu.memory_space<hbm>> -> memref<1x16xi32, #tpu.memory_space<hbm>>
      %dma_start3A_154 = tpu.memref_squeeze %dma_start3A_153 : memref<1x16xi32, #tpu.memory_space<hbm>> -> memref<16xi32, #tpu.memory_space<hbm>>
      tpu.enqueue_dma source(%dma_start3A_154 : memref<16xi32, #tpu.memory_space<hbm>>) target(%arg14 : memref<16xi32, #tpu.memory_space<vmem>>) target_semaphore(%run_scoped3A : memref<!tpu.dma_semaphore, #tpu.memory_space<semaphore_mem>>)
      %dma_wait3A_155 = tpu.memref_slice %arg5[%select_n3A, %add3A_101] : memref<4x1024xi32, #tpu.memory_space<hbm>> -> memref<1x16xi32, #tpu.memory_space<hbm>>
      %dma_wait3A_156 = tpu.memref_squeeze %dma_wait3A_155 : memref<1x16xi32, #tpu.memory_space<hbm>> -> memref<16xi32, #tpu.memory_space<hbm>>
      %dma_wait3A_157 = tpu.memref_slice %arg5[%select_n3A, %add3A_101] : memref<4x1024xi32, #tpu.memory_space<hbm>> -> memref<1x16xi32, #tpu.memory_space<hbm>>
      %dma_wait3A_158 = tpu.memref_squeeze %dma_wait3A_157 : memref<1x16xi32, #tpu.memory_space<hbm>> -> memref<16xi32, #tpu.memory_space<hbm>>
      tpu.wait_dma2 semaphore(%run_scoped3A : memref<!tpu.dma_semaphore, #tpu.memory_space<semaphore_mem>>) src(%dma_wait3A_158 : memref<16xi32, #tpu.memory_space<hbm>>) dst(%arg14 : memref<16xi32, #tpu.memory_space<vmem>>)
      tpu.yield
    }) : () -> ()
    %dma_start3A_102 = arith.constant 0 : i32
    %dma_start3A_103 = arith.constant 0 : i32
    %dma_start3A_104 = tpu.memref_slice %arg3[%dma_start3A_102, %dma_start3A_103] : memref<4096x2048xf32, #tpu.memory_space<hbm>> -> memref<4096x2048xf32, #tpu.memory_space<hbm>>
    tpu.enqueue_indirect_dma source(%dma_start3A_104 : memref<4096x2048xf32, #tpu.memory_space<hbm>>) target(%arg8 : memref<16x2048xf32, #tpu.memory_space<vmem>>) offsets(%arg14 : memref<16xi32, #tpu.memory_space<vmem>>) semaphore(%arg18 : memref<!tpu.dma_semaphore, #tpu.memory_space<semaphore_mem>>)
    %dma_wait3A_105 = arith.constant 0 : i32
    %dma_wait3A_106 = arith.constant 0 : i32
    %dma_wait3A_107 = tpu.memref_slice %arg3[%dma_wait3A_105, %dma_wait3A_106] : memref<4096x2048xf32, #tpu.memory_space<hbm>> -> memref<4096x2048xf32, #tpu.memory_space<hbm>>
    tpu.wait_indirect_dma semaphore(%arg19 : memref<!tpu.dma_semaphore, #tpu.memory_space<semaphore_mem>>) src(%dma_wait3A_107 : memref<4096x2048xf32, #tpu.memory_space<hbm>>) dst(%arg9 : memref<16x2048xf32, #tpu.memory_space<vmem>>)
    %dma_start3A_108 = arith.constant 0 : i32
    %dma_start3A_109 = arith.constant 0 : i32
    %dma_start3A_110 = tpu.memref_slice %arg6[%dma_start3A_108, %dma_start3A_109] : memref<32768x2048xf32, #tpu.memory_space<hbm>> -> memref<32768x2048xf32, #tpu.memory_space<hbm>>
    tpu.enqueue_indirect_dma source(%arg9 : memref<16x2048xf32, #tpu.memory_space<vmem>>) target(%dma_start3A_110 : memref<32768x2048xf32, #tpu.memory_space<hbm>>) offsets(%arg12 : memref<16xi32, #tpu.memory_space<vmem>>) semaphore(%arg22 : memref<!tpu.dma_semaphore, #tpu.memory_space<semaphore_mem>>)
    %dma_wait3A_111 = arith.constant 0 : i32
    %dma_wait3A_112 = arith.constant 0 : i32
    %dma_wait3A_113 = tpu.memref_slice %arg6[%dma_wait3A_111, %dma_wait3A_112] : memref<32768x2048xf32, #tpu.memory_space<hbm>> -> memref<32768x2048xf32, #tpu.memory_space<hbm>>
    tpu.wait_indirect_dma semaphore(%arg22 : memref<!tpu.dma_semaphore, #tpu.memory_space<semaphore_mem>>) src(%arg9 : memref<16x2048xf32, #tpu.memory_space<vmem>>) dst(%dma_wait3A_113 : memref<32768x2048xf32, #tpu.memory_space<hbm>>)
    %add3A_114 = arith.constant 112 : i32
    %add3A_115 = arith.addi %mul3A_35, %add3A_114 : i32
    "tpu.region"() ({
      %run_scoped3A = tpu.sem_alloc : memref<!tpu.dma_semaphore, #tpu.memory_space<semaphore_mem>>
      %dma_start3A_151 = tpu.memref_slice %arg4[%select_n3A, %add3A_115] : memref<4x1024xi32, #tpu.memory_space<hbm>> -> memref<1x16xi32, #tpu.memory_space<hbm>>
      %dma_start3A_152 = tpu.memref_squeeze %dma_start3A_151 : memref<1x16xi32, #tpu.memory_space<hbm>> -> memref<16xi32, #tpu.memory_space<hbm>>
      %dma_start3A_153 = tpu.memref_slice %arg4[%select_n3A, %add3A_115] : memref<4x1024xi32, #tpu.memory_space<hbm>> -> memref<1x16xi32, #tpu.memory_space<hbm>>
      %dma_start3A_154 = tpu.memref_squeeze %dma_start3A_153 : memref<1x16xi32, #tpu.memory_space<hbm>> -> memref<16xi32, #tpu.memory_space<hbm>>
      tpu.enqueue_dma source(%dma_start3A_154 : memref<16xi32, #tpu.memory_space<hbm>>) target(%arg12 : memref<16xi32, #tpu.memory_space<vmem>>) target_semaphore(%run_scoped3A : memref<!tpu.dma_semaphore, #tpu.memory_space<semaphore_mem>>)
      %dma_wait3A_155 = tpu.memref_slice %arg4[%select_n3A, %add3A_115] : memref<4x1024xi32, #tpu.memory_space<hbm>> -> memref<1x16xi32, #tpu.memory_space<hbm>>
      %dma_wait3A_156 = tpu.memref_squeeze %dma_wait3A_155 : memref<1x16xi32, #tpu.memory_space<hbm>> -> memref<16xi32, #tpu.memory_space<hbm>>
      %dma_wait3A_157 = tpu.memref_slice %arg4[%select_n3A, %add3A_115] : memref<4x1024xi32, #tpu.memory_space<hbm>> -> memref<1x16xi32, #tpu.memory_space<hbm>>
      %dma_wait3A_158 = tpu.memref_squeeze %dma_wait3A_157 : memref<1x16xi32, #tpu.memory_space<hbm>> -> memref<16xi32, #tpu.memory_space<hbm>>
      tpu.wait_dma2 semaphore(%run_scoped3A : memref<!tpu.dma_semaphore, #tpu.memory_space<semaphore_mem>>) src(%dma_wait3A_158 : memref<16xi32, #tpu.memory_space<hbm>>) dst(%arg12 : memref<16xi32, #tpu.memory_space<vmem>>)
      tpu.yield
    }) : () -> ()
    "tpu.region"() ({
      %run_scoped3A = tpu.sem_alloc : memref<!tpu.dma_semaphore, #tpu.memory_space<semaphore_mem>>
      %dma_start3A_151 = tpu.memref_slice %arg5[%select_n3A, %add3A_115] : memref<4x1024xi32, #tpu.memory_space<hbm>> -> memref<1x16xi32, #tpu.memory_space<hbm>>
      %dma_start3A_152 = tpu.memref_squeeze %dma_start3A_151 : memref<1x16xi32, #tpu.memory_space<hbm>> -> memref<16xi32, #tpu.memory_space<hbm>>
      %dma_start3A_153 = tpu.memref_slice %arg5[%select_n3A, %add3A_115] : memref<4x1024xi32, #tpu.memory_space<hbm>> -> memref<1x16xi32, #tpu.memory_space<hbm>>
      %dma_start3A_154 = tpu.memref_squeeze %dma_start3A_153 : memref<1x16xi32, #tpu.memory_space<hbm>> -> memref<16xi32, #tpu.memory_space<hbm>>
      tpu.enqueue_dma source(%dma_start3A_154 : memref<16xi32, #tpu.memory_space<hbm>>) target(%arg15 : memref<16xi32, #tpu.memory_space<vmem>>) target_semaphore(%run_scoped3A : memref<!tpu.dma_semaphore, #tpu.memory_space<semaphore_mem>>)
      %dma_wait3A_155 = tpu.memref_slice %arg5[%select_n3A, %add3A_115] : memref<4x1024xi32, #tpu.memory_space<hbm>> -> memref<1x16xi32, #tpu.memory_space<hbm>>
      %dma_wait3A_156 = tpu.memref_squeeze %dma_wait3A_155 : memref<1x16xi32, #tpu.memory_space<hbm>> -> memref<16xi32, #tpu.memory_space<hbm>>
      %dma_wait3A_157 = tpu.memref_slice %arg5[%select_n3A, %add3A_115] : memref<4x1024xi32, #tpu.memory_space<hbm>> -> memref<1x16xi32, #tpu.memory_space<hbm>>
      %dma_wait3A_158 = tpu.memref_squeeze %dma_wait3A_157 : memref<1x16xi32, #tpu.memory_space<hbm>> -> memref<16xi32, #tpu.memory_space<hbm>>
      tpu.wait_dma2 semaphore(%run_scoped3A : memref<!tpu.dma_semaphore, #tpu.memory_space<semaphore_mem>>) src(%dma_wait3A_158 : memref<16xi32, #tpu.memory_space<hbm>>) dst(%arg15 : memref<16xi32, #tpu.memory_space<vmem>>)
      tpu.yield
    }) : () -> ()
    %dma_start3A_116 = arith.constant 0 : i32
    %dma_start3A_117 = arith.constant 0 : i32
    %dma_start3A_118 = tpu.memref_slice %arg3[%dma_start3A_116, %dma_start3A_117] : memref<4096x2048xf32, #tpu.memory_space<hbm>> -> memref<4096x2048xf32, #tpu.memory_space<hbm>>
    tpu.enqueue_indirect_dma source(%dma_start3A_118 : memref<4096x2048xf32, #tpu.memory_space<hbm>>) target(%arg9 : memref<16x2048xf32, #tpu.memory_space<vmem>>) offsets(%arg15 : memref<16xi32, #tpu.memory_space<vmem>>) semaphore(%arg19 : memref<!tpu.dma_semaphore, #tpu.memory_space<semaphore_mem>>)
    %dma_wait3A_119 = arith.constant 0 : i32
    %dma_wait3A_120 = arith.constant 0 : i32
    %dma_wait3A_121 = tpu.memref_slice %arg3[%dma_wait3A_119, %dma_wait3A_120] : memref<4096x2048xf32, #tpu.memory_space<hbm>> -> memref<4096x2048xf32, #tpu.memory_space<hbm>>
    tpu.wait_indirect_dma semaphore(%arg20 : memref<!tpu.dma_semaphore, #tpu.memory_space<semaphore_mem>>) src(%dma_wait3A_121 : memref<4096x2048xf32, #tpu.memory_space<hbm>>) dst(%arg10 : memref<16x2048xf32, #tpu.memory_space<vmem>>)
    %dma_start3A_122 = arith.constant 0 : i32
    %dma_start3A_123 = arith.constant 0 : i32
    %dma_start3A_124 = tpu.memref_slice %arg6[%dma_start3A_122, %dma_start3A_123] : memref<32768x2048xf32, #tpu.memory_space<hbm>> -> memref<32768x2048xf32, #tpu.memory_space<hbm>>
    tpu.enqueue_indirect_dma source(%arg10 : memref<16x2048xf32, #tpu.memory_space<vmem>>) target(%dma_start3A_124 : memref<32768x2048xf32, #tpu.memory_space<hbm>>) offsets(%arg13 : memref<16xi32, #tpu.memory_space<vmem>>) semaphore(%arg23 : memref<!tpu.dma_semaphore, #tpu.memory_space<semaphore_mem>>)
    %dma_wait3A_125 = arith.constant 0 : i32
    %dma_wait3A_126 = arith.constant 0 : i32
    %dma_wait3A_127 = tpu.memref_slice %arg3[%dma_wait3A_125, %dma_wait3A_126] : memref<4096x2048xf32, #tpu.memory_space<hbm>> -> memref<4096x2048xf32, #tpu.memory_space<hbm>>
    tpu.wait_indirect_dma semaphore(%arg18 : memref<!tpu.dma_semaphore, #tpu.memory_space<semaphore_mem>>) src(%dma_wait3A_127 : memref<4096x2048xf32, #tpu.memory_space<hbm>>) dst(%arg8 : memref<16x2048xf32, #tpu.memory_space<vmem>>)
    %dma_start3A_128 = arith.constant 0 : i32
    %dma_start3A_129 = arith.constant 0 : i32
    %dma_start3A_130 = tpu.memref_slice %arg6[%dma_start3A_128, %dma_start3A_129] : memref<32768x2048xf32, #tpu.memory_space<hbm>> -> memref<32768x2048xf32, #tpu.memory_space<hbm>>
    tpu.enqueue_indirect_dma source(%arg8 : memref<16x2048xf32, #tpu.memory_space<vmem>>) target(%dma_start3A_130 : memref<32768x2048xf32, #tpu.memory_space<hbm>>) offsets(%arg11 : memref<16xi32, #tpu.memory_space<vmem>>) semaphore(%arg21 : memref<!tpu.dma_semaphore, #tpu.memory_space<semaphore_mem>>)
    %dma_wait3A_131 = arith.constant 0 : i32
    %dma_wait3A_132 = arith.constant 0 : i32
    %dma_wait3A_133 = tpu.memref_slice %arg3[%dma_wait3A_131, %dma_wait3A_132] : memref<4096x2048xf32, #tpu.memory_space<hbm>> -> memref<4096x2048xf32, #tpu.memory_space<hbm>>
    tpu.wait_indirect_dma semaphore(%arg19 : memref<!tpu.dma_semaphore, #tpu.memory_space<semaphore_mem>>) src(%dma_wait3A_133 : memref<4096x2048xf32, #tpu.memory_space<hbm>>) dst(%arg9 : memref<16x2048xf32, #tpu.memory_space<vmem>>)
    %dma_start3A_134 = arith.constant 0 : i32
    %dma_start3A_135 = arith.constant 0 : i32
    %dma_start3A_136 = tpu.memref_slice %arg6[%dma_start3A_134, %dma_start3A_135] : memref<32768x2048xf32, #tpu.memory_space<hbm>> -> memref<32768x2048xf32, #tpu.memory_space<hbm>>
    tpu.enqueue_indirect_dma source(%arg9 : memref<16x2048xf32, #tpu.memory_space<vmem>>) target(%dma_start3A_136 : memref<32768x2048xf32, #tpu.memory_space<hbm>>) offsets(%arg12 : memref<16xi32, #tpu.memory_space<vmem>>) semaphore(%arg22 : memref<!tpu.dma_semaphore, #tpu.memory_space<semaphore_mem>>)
    %dma_wait3A_137 = arith.constant 0 : i32
    %dma_wait3A_138 = arith.constant 0 : i32
    %dma_wait3A_139 = tpu.memref_slice %arg6[%dma_wait3A_137, %dma_wait3A_138] : memref<32768x2048xf32, #tpu.memory_space<hbm>> -> memref<32768x2048xf32, #tpu.memory_space<hbm>>
    tpu.wait_indirect_dma semaphore(%arg23 : memref<!tpu.dma_semaphore, #tpu.memory_space<semaphore_mem>>) src(%arg10 : memref<16x2048xf32, #tpu.memory_space<vmem>>) dst(%dma_wait3A_139 : memref<32768x2048xf32, #tpu.memory_space<hbm>>)
    %dma_wait3A_140 = arith.constant 0 : i32
    %dma_wait3A_141 = arith.constant 0 : i32
    %dma_wait3A_142 = tpu.memref_slice %arg6[%dma_wait3A_140, %dma_wait3A_141] : memref<32768x2048xf32, #tpu.memory_space<hbm>> -> memref<32768x2048xf32, #tpu.memory_space<hbm>>
    tpu.wait_indirect_dma semaphore(%arg21 : memref<!tpu.dma_semaphore, #tpu.memory_space<semaphore_mem>>) src(%arg8 : memref<16x2048xf32, #tpu.memory_space<vmem>>) dst(%dma_wait3A_142 : memref<32768x2048xf32, #tpu.memory_space<hbm>>)
    %dma_wait3A_143 = arith.constant 0 : i32
    %dma_wait3A_144 = arith.constant 0 : i32
    %dma_wait3A_145 = tpu.memref_slice %arg6[%dma_wait3A_143, %dma_wait3A_144] : memref<32768x2048xf32, #tpu.memory_space<hbm>> -> memref<32768x2048xf32, #tpu.memory_space<hbm>>
    tpu.wait_indirect_dma semaphore(%arg22 : memref<!tpu.dma_semaphore, #tpu.memory_space<semaphore_mem>>) src(%arg9 : memref<16x2048xf32, #tpu.memory_space<vmem>>) dst(%dma_wait3A_145 : memref<32768x2048xf32, #tpu.memory_space<hbm>>)
    %barrier3A = arith.constant 0 : index
    tpu.barrier barrier_id(%barrier3A)
    %lt3A_146 = arith.constant 2 : i32
    %lt3A_147 = arith.cmpi slt, %arg1, %lt3A_146 : i32
    %convert_element_type3A_148 = arith.extui %lt3A_147 : i1 to i32
    %cond3A_149 = arith.constant 0 : i32
    %cond3A_150 = arith.cmpi ne, %convert_element_type3A_148, %cond3A_149 : i32
    scf.if %cond3A_150 {
      %mul3A_151 = arith.constant 2 : i32
      %mul3A_152 = arith.muli %arg0, %mul3A_151 : i32
      %add3A_153 = arith.addi %mul3A_152, %arg1 : i32
      %mul3A_154 = arith.constant 8192 : i32
      %mul3A_155 = arith.muli %add3A_153, %mul3A_154 : i32
      "tpu.region"() ({
        %run_scoped3A = tpu.sem_alloc : memref<!tpu.dma_semaphore, #tpu.memory_space<semaphore_mem>>
        %dma_start3A_156 = arith.constant 0 : i32
        %dma_start3A_157 = tpu.memref_slice %arg6[%mul3A_155, %dma_start3A_156] : memref<32768x2048xf32, #tpu.memory_space<hbm>> -> memref<1x2048xf32, #tpu.memory_space<hbm>>
        %dma_start3A_158 = arith.constant 0 : i32
        %dma_start3A_159 = tpu.memref_slice %arg6[%mul3A_155, %dma_start3A_158] : memref<32768x2048xf32, #tpu.memory_space<hbm>> -> memref<1x2048xf32, #tpu.memory_space<hbm>>
        tpu.enqueue_dma source(%arg17 : memref<1x2048xf32, #tpu.memory_space<vmem>>) target(%dma_start3A_159 : memref<1x2048xf32, #tpu.memory_space<hbm>>) target_semaphore(%run_scoped3A : memref<!tpu.dma_semaphore, #tpu.memory_space<semaphore_mem>>)
        %dma_wait3A_160 = arith.constant 0 : i32
        %dma_wait3A_161 = tpu.memref_slice %arg6[%mul3A_155, %dma_wait3A_160] : memref<32768x2048xf32, #tpu.memory_space<hbm>> -> memref<1x2048xf32, #tpu.memory_space<hbm>>
        %dma_wait3A_162 = arith.constant 0 : i32
        %dma_wait3A_163 = tpu.memref_slice %arg6[%mul3A_155, %dma_wait3A_162] : memref<32768x2048xf32, #tpu.memory_space<hbm>> -> memref<1x2048xf32, #tpu.memory_space<hbm>>
        tpu.wait_dma2 semaphore(%run_scoped3A : memref<!tpu.dma_semaphore, #tpu.memory_space<semaphore_mem>>) src(%arg17 : memref<1x2048xf32, #tpu.memory_space<vmem>>) dst(%dma_wait3A_163 : memref<1x2048xf32, #tpu.memory_space<hbm>>)
        tpu.yield
      }) : () -> ()
    } else {
    }
    return
  }
}

module attributes {stable_mosaic.version = 14 : i64} {
  func.func @_copy_idx_body(%arg0: i32, %arg1: memref<1024x2048xf32, #tpu.memory_space<vmem>>, %arg2: memref<4x1024xi32, #tpu.memory_space<vmem>>, %arg3: memref<1024x2048xf32, #tpu.memory_space<vmem>>, %arg4: memref<4x1024xi32, #tpu.memory_space<vmem>>, %arg5: memref<4x1024xi32, #tpu.memory_space<vmem>>) attributes {dimension_semantics = [#tpu.dimension_semantics<arbitrary>], iteration_bounds = array<i64: 32>, scalar_prefetch = 0 : i64, scratch_operands = 0 : i64, tpu.core_type = #tpu.core_type<tc>, window_params = [{transform_indices = @transform_0, window_bounds = array<i64: 1024, 2048>}, {pipeline_mode = #tpu.pipeline_mode<synchronous>, transform_indices = @transform_1, window_bounds = array<i64: 4, 1024>}, {transform_indices = @transform_2, window_bounds = array<i64: 1024, 2048>}, {pipeline_mode = #tpu.pipeline_mode<synchronous>, transform_indices = @transform_3, window_bounds = array<i64: 4, 1024>}, {pipeline_mode = #tpu.pipeline_mode<synchronous>, transform_indices = @transform_4, window_bounds = array<i64: 4, 1024>}]} {
    %get3A = arith.constant 0 : index
    %get3A_0 = arith.constant 0 : index
    %get3A_1 = vector.load %arg1[%get3A, %get3A_0] : memref<1024x2048xf32, #tpu.memory_space<vmem>>, vector<1024x2048xf32>
    %swap3A = arith.constant 0 : index
    %swap3A_2 = arith.constant 0 : index
    %swap3A_3 = vector.load %arg3[%swap3A, %swap3A_2] : memref<1024x2048xf32, #tpu.memory_space<vmem>>, vector<1024x2048xf32>
    tpu.vector_store %arg3[%swap3A, %swap3A_2], %get3A_1 {strides = array<i32>} : memref<1024x2048xf32, #tpu.memory_space<vmem>>, vector<1024x2048xf32>,
    %eq3A = arith.constant 0 : i32
    %eq3A_4 = arith.cmpi eq, %arg0, %eq3A : i32
    %convert_element_type3A = arith.extui %eq3A_4 : i1 to i32
    %cond3A = arith.constant 0 : i32
    %cond3A_5 = arith.cmpi ne, %convert_element_type3A, %cond3A : i32
    scf.if %cond3A_5 {
      %get3A_6 = arith.constant 0 : index
      %get3A_7 = arith.constant 0 : index
      %get3A_8 = vector.load %arg2[%get3A_6, %get3A_7] : memref<4x1024xi32, #tpu.memory_space<vmem>>, vector<4x1024xi32>
      %slice3A = vector.extract_strided_slice %get3A_8 {offsets = [0, 1], sizes = [4, 1023], strides = [1, 1]} : vector<4x1024xi32> to vector<4x1023xi32>
      %broadcast_in_dim3A = arith.constant -1 : i32
      %broadcast_in_dim3A_9 = vector.broadcast %broadcast_in_dim3A : i32 to vector<4x1xi32>
      %concatenate3A = tpu.concatenate %slice3A, %broadcast_in_dim3A_9 in 1 : vector<4x1023xi32>, vector<4x1xi32> -> vector<4x1024xi32>
      %ne3A = arith.cmpi ne, %get3A_8, %concatenate3A : vector<4x1024xi32>
      %iota3A = tpu.iota {dimensions = array<i32: 1>} : vector<4x1024xi32>
      %jit3A = arith.constant 1073741824 : i32
      %broadcast_in_dim3A_10 = vector.broadcast %jit3A : i32 to vector<4x1024xi32>
      %select_n3A = arith.select %ne3A, %iota3A, %broadcast_in_dim3A_10 : vector<4x1024xi1>, vector<4x1024xi32>
      %slice3A_11 = vector.extract_strided_slice %select_n3A {offsets = [0, 1], sizes = [4, 1023], strides = [1, 1]} : vector<4x1024xi32> to vector<4x1023xi32>
      %broadcast_in_dim3A_12 = arith.constant 1073741824 : i32
      %broadcast_in_dim3A_13 = vector.broadcast %broadcast_in_dim3A_12 : i32 to vector<4x1xi32>
      %concatenate3A_14 = tpu.concatenate %slice3A_11, %broadcast_in_dim3A_13 in 1 : vector<4x1023xi32>, vector<4x1xi32> -> vector<4x1024xi32>
      %min3A = arith.minsi %select_n3A, %concatenate3A_14 : vector<4x1024xi32>
      %slice3A_15 = vector.extract_strided_slice %min3A {offsets = [0, 2], sizes = [4, 1022], strides = [1, 1]} : vector<4x1024xi32> to vector<4x1022xi32>
      %broadcast_in_dim3A_16 = arith.constant 1073741824 : i32
      %broadcast_in_dim3A_17 = vector.broadcast %broadcast_in_dim3A_16 : i32 to vector<4x2xi32>
      %concatenate3A_18 = tpu.concatenate %slice3A_15, %broadcast_in_dim3A_17 in 1 : vector<4x1022xi32>, vector<4x2xi32> -> vector<4x1024xi32>
      %min3A_19 = arith.minsi %min3A, %concatenate3A_18 : vector<4x1024xi32>
      %slice3A_20 = vector.extract_strided_slice %min3A_19 {offsets = [0, 4], sizes = [4, 1020], strides = [1, 1]} : vector<4x1024xi32> to vector<4x1020xi32>
      %broadcast_in_dim3A_21 = arith.constant 1073741824 : i32
      %broadcast_in_dim3A_22 = vector.broadcast %broadcast_in_dim3A_21 : i32 to vector<4x4xi32>
      %concatenate3A_23 = tpu.concatenate %slice3A_20, %broadcast_in_dim3A_22 in 1 : vector<4x1020xi32>, vector<4x4xi32> -> vector<4x1024xi32>
      %min3A_24 = arith.minsi %min3A_19, %concatenate3A_23 : vector<4x1024xi32>
      %slice3A_25 = vector.extract_strided_slice %min3A_24 {offsets = [0, 8], sizes = [4, 1016], strides = [1, 1]} : vector<4x1024xi32> to vector<4x1016xi32>
      %broadcast_in_dim3A_26 = arith.constant 1073741824 : i32
      %broadcast_in_dim3A_27 = vector.broadcast %broadcast_in_dim3A_26 : i32 to vector<4x8xi32>
      %concatenate3A_28 = tpu.concatenate %slice3A_25, %broadcast_in_dim3A_27 in 1 : vector<4x1016xi32>, vector<4x8xi32> -> vector<4x1024xi32>
      %min3A_29 = arith.minsi %min3A_24, %concatenate3A_28 : vector<4x1024xi32>
      %slice3A_30 = vector.extract_strided_slice %min3A_29 {offsets = [0, 16], sizes = [4, 1008], strides = [1, 1]} : vector<4x1024xi32> to vector<4x1008xi32>
      %broadcast_in_dim3A_31 = arith.constant 1073741824 : i32
      %broadcast_in_dim3A_32 = vector.broadcast %broadcast_in_dim3A_31 : i32 to vector<4x16xi32>
      %concatenate3A_33 = tpu.concatenate %slice3A_30, %broadcast_in_dim3A_32 in 1 : vector<4x1008xi32>, vector<4x16xi32> -> vector<4x1024xi32>
      %min3A_34 = arith.minsi %min3A_29, %concatenate3A_33 : vector<4x1024xi32>
      %slice3A_35 = vector.extract_strided_slice %min3A_34 {offsets = [0, 32], sizes = [4, 992], strides = [1, 1]} : vector<4x1024xi32> to vector<4x992xi32>
      %broadcast_in_dim3A_36 = arith.constant 1073741824 : i32
      %broadcast_in_dim3A_37 = vector.broadcast %broadcast_in_dim3A_36 : i32 to vector<4x32xi32>
      %concatenate3A_38 = tpu.concatenate %slice3A_35, %broadcast_in_dim3A_37 in 1 : vector<4x992xi32>, vector<4x32xi32> -> vector<4x1024xi32>
      %min3A_39 = arith.minsi %min3A_34, %concatenate3A_38 : vector<4x1024xi32>
      %slice3A_40 = vector.extract_strided_slice %min3A_39 {offsets = [0, 64], sizes = [4, 960], strides = [1, 1]} : vector<4x1024xi32> to vector<4x960xi32>
      %broadcast_in_dim3A_41 = arith.constant 1073741824 : i32
      %broadcast_in_dim3A_42 = vector.broadcast %broadcast_in_dim3A_41 : i32 to vector<4x64xi32>
      %concatenate3A_43 = tpu.concatenate %slice3A_40, %broadcast_in_dim3A_42 in 1 : vector<4x960xi32>, vector<4x64xi32> -> vector<4x1024xi32>
      %min3A_44 = arith.minsi %min3A_39, %concatenate3A_43 : vector<4x1024xi32>
      %slice3A_45 = vector.extract_strided_slice %min3A_44 {offsets = [0, 128], sizes = [4, 896], strides = [1, 1]} : vector<4x1024xi32> to vector<4x896xi32>
      %broadcast_in_dim3A_46 = arith.constant 1073741824 : i32
      %broadcast_in_dim3A_47 = vector.broadcast %broadcast_in_dim3A_46 : i32 to vector<4x128xi32>
      %concatenate3A_48 = tpu.concatenate %slice3A_45, %broadcast_in_dim3A_47 in 1 : vector<4x896xi32>, vector<4x128xi32> -> vector<4x1024xi32>
      %min3A_49 = arith.minsi %min3A_44, %concatenate3A_48 : vector<4x1024xi32>
      %slice3A_50 = vector.extract_strided_slice %min3A_49 {offsets = [0, 256], sizes = [4, 768], strides = [1, 1]} : vector<4x1024xi32> to vector<4x768xi32>
      %broadcast_in_dim3A_51 = arith.constant 1073741824 : i32
      %broadcast_in_dim3A_52 = vector.broadcast %broadcast_in_dim3A_51 : i32 to vector<4x256xi32>
      %concatenate3A_53 = tpu.concatenate %slice3A_50, %broadcast_in_dim3A_52 in 1 : vector<4x768xi32>, vector<4x256xi32> -> vector<4x1024xi32>
      %min3A_54 = arith.minsi %min3A_49, %concatenate3A_53 : vector<4x1024xi32>
      %slice3A_55 = vector.extract_strided_slice %min3A_54 {offsets = [0, 512], sizes = [4, 512], strides = [1, 1]} : vector<4x1024xi32> to vector<4x512xi32>
      %broadcast_in_dim3A_56 = arith.constant 1073741824 : i32
      %broadcast_in_dim3A_57 = vector.broadcast %broadcast_in_dim3A_56 : i32 to vector<4x512xi32>
      %concatenate3A_58 = tpu.concatenate %slice3A_55, %broadcast_in_dim3A_57 in 1 : vector<4x512xi32>, vector<4x512xi32> -> vector<4x1024xi32>
      %min3A_59 = arith.minsi %min3A_54, %concatenate3A_58 : vector<4x1024xi32>
      %iota3A_60 = tpu.iota {dimensions = array<i32: 0>} : vector<4x1024xi32>
      %mul3A = arith.constant 8192 : i32
      %mul3A_61 = vector.broadcast %mul3A : i32 to vector<4x1024xi32>
      %mul3A_62 = arith.muli %iota3A_60, %mul3A_61 : vector<4x1024xi32>
      %add3A = arith.addi %mul3A_62, %get3A_8 : vector<4x1024xi32>
      %swap3A_63 = arith.constant 0 : index
      %swap3A_64 = arith.constant 0 : index
      %swap3A_65 = vector.load %arg4[%swap3A_63, %swap3A_64] : memref<4x1024xi32, #tpu.memory_space<vmem>>, vector<4x1024xi32>
      tpu.vector_store %arg4[%swap3A_63, %swap3A_64], %add3A {strides = array<i32>} : memref<4x1024xi32, #tpu.memory_space<vmem>>, vector<4x1024xi32>,
      %mul3A_66 = arith.constant 1024 : i32
      %mul3A_67 = vector.broadcast %mul3A_66 : i32 to vector<4x1024xi32>
      %mul3A_68 = arith.muli %iota3A_60, %mul3A_67 : vector<4x1024xi32>
      %add3A_69 = arith.addi %mul3A_68, %min3A_59 : vector<4x1024xi32>
      %swap3A_70 = arith.constant 0 : index
      %swap3A_71 = arith.constant 0 : index
      %swap3A_72 = vector.load %arg5[%swap3A_70, %swap3A_71] : memref<4x1024xi32, #tpu.memory_space<vmem>>, vector<4x1024xi32>
      tpu.vector_store %arg5[%swap3A_70, %swap3A_71], %add3A_69 {strides = array<i32>} : memref<4x1024xi32, #tpu.memory_space<vmem>>, vector<4x1024xi32>,
    } else {
    }
    return
  }
  func.func @transform_0(%arg0: i32) -> (i32, i32) {
    %c0_i32 = arith.constant 0 : i32
    %c0_i32_0 = arith.constant 0 : i32
    return %arg0, %c0_i32 : i32, i32
  }
  func.func @transform_1(%arg0: i32) -> (i32, i32) {
    %c0_i32 = arith.constant 0 : i32
    %c0_i32_0 = arith.constant 0 : i32
    %c0_i32_1 = arith.constant 0 : i32
    return %c0_i32, %c0_i32_0 : i32, i32
  }
  func.func @transform_2(%arg0: i32) -> (i32, i32) {
    %c0_i32 = arith.constant 0 : i32
    %c0_i32_0 = arith.constant 0 : i32
    return %arg0, %c0_i32 : i32, i32
  }
  func.func @transform_3(%arg0: i32) -> (i32, i32) {
    %c0_i32 = arith.constant 0 : i32
    %c0_i32_0 = arith.constant 0 : i32
    %c0_i32_1 = arith.constant 0 : i32
    return %c0_i32, %c0_i32_0 : i32, i32
  }
  func.func @transform_4(%arg0: i32) -> (i32, i32) {
    %c0_i32 = arith.constant 0 : i32
    %c0_i32_0 = arith.constant 0 : i32
    %c0_i32_1 = arith.constant 0 : i32
    return %c0_i32, %c0_i32_0 : i32, i32
  }
}

</mosaic_0001>

<sc_bundles>
// kernel: kernel.4.cloned.1.call-start
scs
__scs_entry_jumppad:
0x0: {  	(pc) =	sbr.rel $0x88, $3  }
0x1: {  	(tag) =	ssettag $0x0;
	lr =	simm.s32 $0x1  }
0x2: {  	[smem:$0x3F9E] =	sst lr;
	_ =	strace $0xD0000000  }
0x3: {  	_ = 	snop  }
0x4: {  	_ = 	snop  }
0x5: {  	_ = 	snop  }
0x6: {  	_ = 	snop  }
0x7: {  	_ = 	snop  }
__scs_overlays_trampoline_lowered:
0x8: {  	[smem:$0x3FAD] =	sst s0  }
0x9: {  	[smem:$0x3FAE] =	sst s1  }
0xa: {  	[smem:$0x3FAF] =	sst s2  }
0xb: {  	[smem:$0x3FB0] =	sst s3  }
0xc: {  	[smem:$0x3FB1] =	sst s4  }
0xd: {  	[smem:$0x3FB2] =	sst s5  }
0xe: {  	[smem:$0x3FB3] =	sst s6  }
0xf: {  	[smem:$0x3FB4] =	sst s7  }
0x10: {  	[smem:$0x3FB5] =	sst s8  }
0x11: {  	[smem:$0x3FB6] =	sst s9;
	s0 =	simm.s32 @!p0 $0x0  }
0x12: {  	s1 =	sld [smem:$0x3F9C];
	s0 =	simm.s32 @p0 $0x1  }
0x13: {  	[smem:$0x3FB7] =	sst s0;
	s0 =	simm.s32 @!p1 $0x0  }
0x14: {  	s2 =	sld [smem:$0x3F9B];
	s0 =	simm.s32 @p1 $0x1  }
0x15: {  	[smem:$0x3FB8] =	sst s0;
	s0 =	simm.s32 @!p2 $0x0  }
0x16: {  	s3 =	sld [smem:$0x3FDB];
	s0 =	simm.s32 @p2 $0x1  }
0x17: {  	s4 =	simm.s32 $0x1BF5;
	[smem:$0x3FBA] =	sst s0  }
0x18: {  	s0 =	sld [smem:$0x3F9D];
	_ =	swait.ge [sflag:s4], $0x0  }
0x19: {  	s7 =	sld [smem:$0x3F9E]  }
0x1a: {  	s8 =	sadd.s32 $0xFFFFE003, lr  }
0x1b: {  	s9 =	sadd.s32 $0xFFFFFEF7, lr;
	s5 =	simm.s32 $0xFFFFFFFF;
	p2 =	slt.u32 s8, $0xFFFFF086  }
0x1c: {  	p1 =	slt.u32 s9, $0xF7A;
	s5 =	simm.s32 @!p2 $0x0  }
0x1d: {  	s5 =	simm.s32 @p1 $0x1;
	p0 =	seq.s32 s7, s2  }
0x1e: {  	s7 =	smul.u32 @!p0 $0xF7A, s2;
	p2 =	seq.s32 @!p0 s5, $0x0  }
0x1f: {  	s9 =	smul.u32 $0xF7A, s1;
	s8 =	simm.s32 @!p0 $0x1BF5;
	p2 =	por !p2, p0  }
0x20: {  	[sflag:s8] =	ssyncset.s32 @!p0 $0xFFFFF086;
	s6 =	sadd.s32 @!p0 s3, s7;
	s7 =	simm.s32 @!p0 $0x108  }
0x21: {  	s3 =	sadd.s32 s3, s9;
	s6 =	sadd.s32 @!p0 $0x88, s6;
	s7 =	simm.s32 @p2 $0x1082  }
0x22: {  	[simem:s7], [sflag:s8] =	dma.local @!p0 [hbm:s6], $0xF7A  }
0x23: {  	s9 =	sor.u32 $0xD0000000, s2;
	s6 =	simm.s32 $0x108;
	_ =	swait.ge @!p0 [sflag:s8], $0x0  }
0x24: {  	s3 =	sadd.s32 $0x88, s3;
	s6 =	simm.s32 @!p1 $0x1082;
	[sflag:s4] =	ssyncset.s32 $0xFFFFF086  }
0x25: {  	[simem:s6], [sflag:s4] =	dma.local [hbm:s3], $0xF7A  }
0x26: {  	[smem:$0x3F9E] =	sst s1;
	(tag) =	ssettag s2;
	_ =	strace s9  }
0x27: {  	s1 =	sld [smem:$0x3FAE]  }
0x28: {  	s2 =	sld [smem:$0x3FAF]  }
0x29: {  	s4 =	sld [smem:$0x3FB1]  }
0x2a: {  	p0 =	seq.s32 s5, $0x0;
	s5 =	sld [smem:$0x3FB2]  }
0x2b: {  	s6 =	sld [smem:$0x3FB3]  }
0x2c: {  	s7 =	sld [smem:$0x3FB4]  }
0x2d: {  	s3 =	simm.s32 $0x108;
	s8 =	sld [smem:$0x3FB5]  }
0x2e: {  	s3 =	simm.s32 @!p0 $0x1082;
	s9 =	sld [smem:$0x3FB6]  }
0x2f: {  	lr =	sadd.s32 s0, s3;
	s0 =	sld [smem:$0x3FAD]  }
0x30: {  	s3 =	sld [smem:$0x3FB0]  }
0x31: {  	[smem:$0x3FB9] =	sst s10  }
0x32: {  	s10 =	sld [smem:$0x3FB7];
	_ =	sdelay $0x3  }
0x33: {  	p0 =	seq.s32 s10, $0x1;
	s10 =	sld [smem:$0x3FB9];
	_ =	sdelay $0x3  }
0x34: {  	[smem:$0x3FB9] =	sst s10  }
0x35: {  	s10 =	sld [smem:$0x3FB8];
	_ =	sdelay $0x3  }
0x36: {  	p1 =	seq.s32 s10, $0x1;
	s10 =	sld [smem:$0x3FB9];
	_ =	sdelay $0x3  }
0x37: {  	[smem:$0x3FB9] =	sst s10  }
0x38: {  	s10 =	sld [smem:$0x3FBA]  }
0x39: {  	_ = 	snop;
	(pc) =	sbr.ind lr, $3  }
0x3a: {  	_ = 	snop  }
0x3b: {  	_ = 	snop  }
0x3c: {  	p2 =	seq.s32 s10, $0x1;
	s10 =	sld [smem:$0x3FB9]  }
0x3d: {  	_ =	shalt  }
0x3e: {  	_ =	shalt  }
0x3f: {  	_ =	shalt  }
0x40: {  	_ =	shalt  }
0x41: {  	_ =	shalt  }
0x42: {  	_ =	shalt  }
0x43: {  	_ =	shalt  }
0x44: {  	_ =	shalt  }
0x45: {  	_ =	shalt  }
0x46: {  	_ =	shalt  }
0x47: {  	_ =	shalt  }
0x48: {  	_ =	shalt  }
0x49: {  	_ =	shalt  }
0x4a: {  	_ =	shalt  }
0x4b: {  	_ =	shalt  }
0x4c: {  	_ =	shalt  }
0x4d: {  	_ =	shalt  }
0x4e: {  	_ =	shalt  }
0x4f: {  	_ =	shalt  }
0x50: {  	_ =	shalt  }
0x51: {  	_ =	shalt  }
0x52: {  	_ =	shalt  }
0x53: {  	_ =	shalt  }
0x54: {  	_ =	shalt  }
0x55: {  	_ =	shalt  }
0x56: {  	_ =	shalt  }
0x57: {  	_ =	shalt  }
0x58: {  	_ =	shalt  }
0x59: {  	_ =	shalt  }
0x5a: {  	_ =	shalt  }
0x5b: {  	_ =	shalt  }
0x5c: {  	_ =	shalt  }
0x5d: {  	_ =	shalt  }
0x5e: {  	_ =	shalt  }
0x5f: {  	_ =	shalt  }
0x60: {  	_ =	shalt  }
0x61: {  	_ =	shalt  }
0x62: {  	_ =	shalt  }
0x63: {  	_ =	shalt  }
0x64: {  	_ =	shalt  }
0x65: {  	_ =	shalt  }
0x66: {  	_ =	shalt  }
0x67: {  	_ =	shalt  }
0x68: {  	_ =	shalt  }
0x69: {  	_ =	shalt  }
0x6a: {  	_ =	shalt  }
0x6b: {  	_ =	shalt  }
0x6c: {  	_ =	shalt  }
0x6d: {  	_ =	shalt  }
0x6e: {  	_ =	shalt  }
0x6f: {  	_ =	shalt  }
0x70: {  	_ =	shalt  }
0x71: {  	_ =	shalt  }
0x72: {  	_ =	shalt  }
0x73: {  	_ =	shalt  }
0x74: {  	_ =	shalt  }
0x75: {  	_ =	shalt  }
0x76: {  	_ =	shalt  }
0x77: {  	_ =	shalt  }
0x78: {  	_ =	shalt  }
0x79: {  	_ =	shalt  }
0x7a: {  	_ =	shalt  }
0x7b: {  	_ =	shalt  }
0x7c: {  	_ =	shalt  }
0x7d: {  	_ =	shalt  }
0x7e: {  	_ =	shalt  }
0x7f: {  	_ =	shalt  }
0x80: {  	_ =	shalt  }
0x81: {  	_ =	shalt  }
0x82: {  	_ =	shalt  }
0x83: {  	_ =	shalt  }
0x84: {  	_ =	shalt  }
0x85: {  	_ =	shalt  }
0x86: {  	_ =	shalt  }
0x87: {  	_ =	shalt  }
.Lfunc_end0:
.L_simem_size_0:
called_computation_lowered:
.L_overlay_start_0:
0x88: {  	s2 =	sld [smem:$0x3FD9]  }
0x89: {  	s3 =	sld [smem:$0x3FFE];
	_ =	sdelay $0x1  }
0x8a: {  	s1 =	srdreg.scid  }
0x8b: {  	s0 =	sand.u32 $0x1, s1  }
0x8c: {  	s17 =	sshll.u32 s0, $0xA;
	s2 =	sadd.s32 s3, s2  }
0x8d: {  	s2 =	sadd.s32 s2, s17  }
0x8e: {  	[smem:$0x3FC5] =	sst s2  }
0x8f: {  	_ = 	snop  }
0x90: {  	s2 =	sld [smem:$0x3FC9]  }
0x91: {  	s18 =	sld [smem:$0x3FC8]  }
0x92: {  	s4 =	sld [smem:$0x3FD0];
	(tm) =	ssettm $0x1  }
0x93: {  	s5 =	sld [smem:$0x3FFB];
	_ =	sdelay $0x3  }
0x94: {  	_ =	strace s5  }
0x95: {  	s5 =	sld [smem:$0x3FFC];
	_ =	sdelay $0x3  }
0x96: {  	_ =	strace s5  }
0x97: {  	s5 =	sld [smem:$0x3FFD];
	_ =	sdelay $0x3  }
0x98: {  	_ =	strace s5  }
0x99: {  	_ =	strace $0x8FFFFFFF  }
0x9a: {  	s19 =	sld [smem:$0x3FDB];
	_ =	sdelay $0x1  }
0x9b: {  	s6 =	simm.s32 $_scs_section_size  }
0x9c: {  	s7 =	simm.s32 $_size__tile_overlayer_lowered;
	s8 =	simm.s32 $_tile_overlayer_lowered  }
0x9d: {  	s22 =	simm.s32 $0x1BFF;
	s21 =	sshll.u32 s8, $0x1;
	s5 =	sadd.s32 s6, s19  }
0x9e: {  	s9 =	simm.s32 $0x0;
	s20 =	sshll.u32 s7, $0x1;
	s7 =	sadd.s32 s21, s5  }
0x9f: {  	[timem:s9], [sflag:s22] =	dma.local [hbm:s7], s20  }
0xa0: {  	_ =	swait.ge [sflag:s22], s20  }
0xa1: {  	s6 =	ssub.s32 $0x0, s20;
	[sflag:s22] =	ssyncset.done $0x0  }
0xa2: {  	[sflag:s22] =	ssyncadd.s32 s6;
	_ =	sdelay $0x1  }
0xa3: {  	s23 =	simm.s32 $0x1B8B  }
0xa4: {  	_ =	swait.ge [sflag:s23], $0x1  }
0xa5: {  	[sflag:s23] =	ssyncset.done $0x0  }
0xa6: {  	s25 =	simm.s32 $0x1B8E;
	s24 =	sld [smem:$0x3FFE];
	[sflag:s23] =	ssyncadd.s32 $0xFFFFFFFF  }
0xa7: {  	s26 =	simm.s32 $execute0_lowered;
	[smem:$0x3FD2] =	sst s25  }
0xa8: {  	s7 =	sshll.u32 s26, $0x1;
	_ =	strace $0x80000046;
	[dreg:$0x1] =	wrdreg $0xFFFFFFFF  }
0xa9: {  	s28 =	simm.s32 $_size_execute0_lowered;
	s5 =	sadd.s32 s5, s7;
	[dreg:$0x0] =	wrdreg $0x0  }
0xaa: {  	s7 =	sshll.u32 s28, $0x1;
	[dreg:$0x2] =	wrdreg s5  }
0xab: {  	[dreg:$0x3] =	wrdreg s7  }
0xac: {  	[dreg:$0x4] =	wrdreg $0xC0  }
0xad: {  	_ =	task [dreg:s9], $0x5FFFF  }
0xae: {  	[dreg:$0x1] =	wrdreg $0xFFFFFFFF  }
0xaf: {  	[dreg:$0x0] =	wrdreg $0x60  }
0xb0: {  	[dreg:$0x2] =	wrdreg s18  }
0xb1: {  	[dreg:$0x3] =	wrdreg s2  }
0xb2: {  	[dreg:$0x4] =	wrdreg s24  }
0xb3: {  	[dreg:$0x5] =	wrdreg s4  }
0xb4: {  	[dreg:$0x6] =	wrdreg $0x9  }
0xb5: {  	_ =	task.clear_ibuf [dreg:s9], $0x7FFFF;
	_ =	strace $0x90000046  }
0xb6: {  	s29 =	simm.s32 $0x9;
	_ =	strace $0x80000048  }
0xb7: {  	_ =	swait.ge [sflag:s29], $0x1  }
0xb8: {  	[sflag:s29] =	ssyncadd.s32 $0xFFFFFFFF  }
0xb9: {  	_ =	strace $0x90000048  }
0xba: {  	_ =	sfence  }
0xbb: {  	s30 =	sld [smem:$0x0];
	_ =	sdelay $0x2  }
0xbc: {  	s31 =	sshll.u32 s1, $0xD;
	s1 =	sshrl.u32 s1, $0x2  }
0xbd: {  	s3 =	sand.u32 $0x4000, s31;
	s1 =	sadd.s32 s1, s30  }
0xbe: {  	s0 =	sor.u32 s3, s0;
	s1 =	sshll.u32 s1, $0x11  }
0xbf: {  	s0 =	sor.u32 s1, s0  }
0xc0: {  	s0 =	sadd.s32 $0x8F2B, s0  }
0xc1: {  	[sflag:s0] =	ssyncadd.remote.s32 $0x1  }
0xc2: {  	_ =	sfence.sel $0xFFFF  }
0xc3: {  	[dreg:$0x0] =	wrdreg $0xFFFFFFFF;
	(pc) =	sbr.abs _section_cstart, $3  }
0xc4: {  	[dreg:$0x1] =	wrdreg $0xFFFFFFFF  }
0xc5: {  	_ =	task.clear_ibuf [dreg:s9], $0x2FFFF;
	_ =	strace $0x9FFFFFFF  }
0xc6: {  	(tm) =	ssettm $0x7FFFFFFF  }
0xc7: {  	_ =	shalt  }
tec
execute0_lowered:
.L_overlay_start_1:
0x0: {  	(tag) =	ssettag $0x1  }
0x1: {  	s5 =	rddreg [dreg:$0x0]  }
0x2: {  	s1 =	rddreg [dreg:$0x1]  }
0x3: {  	s0 =	srdreg.scid;
	s2 =	rddreg [dreg:$0x2]  }
0x4: {  	s24 =	stileid.u32;
	s3 =	rddreg [dreg:$0x3]  }
0x5: {  	s4 =	simm.s32 $0x0;
	s8 =	simm.s32 $0x1;
	s6 =	sand.u32 $0x1, s0  }
0x6: {  	s7 =	sand.u32 $0x7, s24;
	[smem:$0x7FF] =	sst s4;
	s0 =	sshll.u32 s6, $0x4  }
0x7: {  	s18 =	sshll.u32 s24, $0x15;
	s31 =	sadd.s32 $0x100, s1;
	s0 =	sor.u32 s24, s0  }
0x8: {  	p1 =	sne.s32 s7, $0x0;
	_ =	strace $0x80000047;
	p0 =	seq.s32 s0, $0x0  }
0x9: {  	s26 =	ssub.s32 $0x2, s6;
	s7 =	sshll.u32 s7, $0x9;
	p0 =	por !p1, !p0  }
0xa: {  	s19 =	sshll.u32 s6, $0x16;
	s5 =	sadd.s32 s5, s18;
	p0 =	por !p0, !p0  }
0xb: {  	[dreg:$0x18] =	wrdreg s31;
	s9 =	sshrl.u32 s0, $0x3;
	s8 =	simm.s32 @!p0 $0x0  }
0xc: {  	s5 =	sadd.s32 s19, s5;
	s0 =	sadd.s32 $0xC00, s2;
	s8 =	ssub.s32 s9, s8  }
0xd: {  	[dreg:$0x5] =	wrdreg s5;
	s9 =	sadd.s32 $0x500, s1;
	s10 =	sshll.u32 s8, $0xA  }
0xe: {  	s8 =	sshll.u32 s8, $0x7;
	[dreg:$0x1c] =	wrdreg s9;
	s10 =	sand.u32 $0xFFFFF000, s10  }
0xf: {  	s8 =	sand.u32 $0x180, s8;
	s7 =	sor.u32 s7, s10;
	s10 =	sadd.s32 $0x600, s1  }
0x10: {  	s28 =	sor.u32 s8, s7;
	s7 =	sadd.s32 $0x300, s1;
	[dreg:$0x1d] =	wrdreg s10  }
0x11: {  	s8 =	sadd.s32 $0x400, s1;
	s17 =	sshrl.u32 s28, $0x3;
	[dreg:$0x1a] =	wrdreg s7  }
0x12: {  	s2 =	sadd.s32 $0xE00, s2;
	[dreg:$0x1b] =	wrdreg s8;
	s6 =	sadd.s32 s0, s17  }
0x13: {  	s29 =	sshrl.u32 s26, $0x1;
	s30 =	sadd.s32 s2, s17;
	[dreg:$0x6] =	wrdreg s6  }
0x14: {  	s12 =	sor.u32 $0x2, s17;
	[dreg:$0x7] =	wrdreg s30;
	s6 =	sadd.s32 $0x200, s1  }
0x15: {  	s20 =	ssub.s32 s26, s29;
	s13 =	sadd.s32 s0, s12;
	[dreg:$0x19] =	wrdreg s6  }
0x16: {  	p0 =	sgt.u32 s24, $0x1;
	s1 =	sadd.s32 $0x700, s1;
	[dreg:$0x8] =	wrdreg s13  }
0x17: {  	s14 =	sor.u32 $0x4, s17;
	s11 =	sadd.s32 s2, s12;
	[dreg:$0x1e] =	wrdreg s1  }
0x18: {  	s16 =	sor.u32 $0x6, s17;
	s12 =	sadd.s32 s0, s14;
	[dreg:$0x9] =	wrdreg s11  }
0x19: {  	s28 =	sor.u32 $0xE, s17;
	s15 =	sadd.s32 s2, s14;
	[dreg:$0xa] =	wrdreg s12  }
0x1a: {  	s21 =	sadd.s32 s2, s16;
	s14 =	sadd.s32 $0x200, s3;
	[dreg:$0xb] =	wrdreg s15  }
0x1b: {  	s29 =	sadd.s32 s2, s28;
	s30 =	sadd.s32 s3, s18;
	[dreg:$0xd] =	wrdreg s21  }
0x1c: {  	s18 =	sadd.s32 $0x600, s3;
	s15 =	sadd.s32 s0, s16;
	[dreg:$0x15] =	wrdreg s29  }
0x1d: {  	s16 =	sor.u32 $0x8, s17;
	s31 =	sadd.s32 s19, s30;
	[dreg:$0xc] =	wrdreg s15  }
0x1e: {  	s13 =	sadd.s32 $0x100, s3;
	s22 =	sadd.s32 s0, s16;
	[dreg:$0x16] =	wrdreg s31  }
0x1f: {  	s21 =	sor.u32 $0xA, s17;
	s16 =	sadd.s32 s2, s16;
	[dreg:$0xe] =	wrdreg s22  }
0x20: {  	s19 =	sadd.s32 $0x700, s3;
	s23 =	sadd.s32 s0, s21;
	[dreg:$0xf] =	wrdreg s16  }
0x21: {  	s21 =	sadd.s32 s2, s21;
	[dreg:$0x10] =	wrdreg s23;
	s22 =	sor.u32 $0xC, s17  }
0x22: {  	s15 =	sadd.s32 $0x300, s3;
	[dreg:$0x11] =	wrdreg s21;
	s25 =	sadd.s32 s0, s22  }
0x23: {  	v2 =	vlaneseq.u32;
	s16 =	sadd.s32 $0x400, s3;
	s26 =	sadd.s32 s2, s22;
	[dreg:$0x12] =	wrdreg s25  }
0x24: {  	vm0 =	vmmov $0xffff;
	v1 =	vshrl.u32 v2, $0x3;
	s17 =	sadd.s32 $0x500, s3;
	s0 =	sadd.s32 s0, s28;
	[dreg:$0x13] =	wrdreg s26  }
0x25: {  	v0 =	vand.u32 $0x7, v2;
	v2 =	vor.u32 $0x8, v2;
	v1 =	vmul.u32 $0x8, v1;
	s2 =	smax.u32 s20, $0x1;
	s22 =	simm.s32 $0x7;
	[dreg:$0x14] =	wrdreg s0  }
.LBB2_1:
0x26: {  	[dreg:$0x17] =	wrdreg s2  }
0x27: {  	s28 =	rddreg [dreg:$0x5]  }
0x28: {  	s0 =	simm.s32 @!p0 $0x80;
	s2 =	simm.s32 @!p0 $0x400;
	s5 =	simm.s32 @!p0 $0x18300  }
0x29: {  	[tilespmem:s5], [sflag:$0x7] =	stream.strided.gather @!p0 [hbm4b:s28+s0], $0x800, s2, s0, $0x38;
	[tilespmem:$0x18B00] =	vst v63  }
0x2a: {  	s0 =	simm.s32 @!p0 $0x7  }
0x2b: {  	_ =	swait.ge @!p0 [sflag:s0], $0x800  }
0x2c: {  	[sflag:s0] =	ssyncset.done @!p0 $0x0  }
0x2d: {  	s9 =	simm.s32 $0x18000;
	s29 =	rddreg [dreg:$0x6];
	[sflag:s0] =	ssyncadd.s32 @!p0 $0xFFFFF800  }
0x2e: {  	[tilespmem:s9], [sflag:$0x7] =	stream.linear.gather [hbm4b:s29+s4], $0x10, $0x38;
	[tilespmem:$0x18B00] =	vst v63  }
0x2f: {  	_ =	swait.ge [sflag:s22], $0x10  }
0x30: {  	[sflag:s22] =	ssyncset.done $0x0  }
0x31: {  	s11 =	simm.s32 $0x18180;
	s10 =	rddreg [dreg:$0x7];
	[sflag:s22] =	ssyncadd.s32 $0xFFFFFFF0  }
0x32: {  	[tilespmem:s11], [sflag:$0x7] =	stream.linear.gather [hbm4b:s10+s4], $0x10, $0x38;
	[tilespmem:$0x18B00] =	vst v63  }
0x33: {  	_ =	swait.ge [sflag:s22], $0x10  }
0x34: {  	[sflag:s22] =	ssyncset.done $0x0  }
0x35: {  	[sflag:s22] =	ssyncadd.s32 $0xFFFFFFF0  }
0x36: {  	v3 =	vld [tilespmem:$0x18180];
	_ =	sdelay $0x4  }
0x37: {  	v4 =	vshll.u32 v3, $0x4  }
0x38: {  	v3 =	vand.u32 $0x7, v3;
	v4 =	vand.u32 $0xFFFFFF80, v4  }
0x39: {  	v3 =	vor.u32 v3, v4  }
0x3a: {  	v4 =	vperm.xlane v3, v0;
	_ =	sdelay $0x1  }
0x3b: {  	v4 =	vadd.s32 v1, v4;
	_ =	sdelay $0x3  }
0x3c: {  	s28 =	rddreg [dreg:$0x1]  }
0x3d: {  	[tilespmem:s4], [sflag:$0x1] =	stream.indirect_vreg.gather [hbm4b:s28+s4], $0x80, v4, vm0, $0xb8;
	[tilespmem:$0x18B00] =	vst v63  }
0x3e: {  	s12 =	simm.s32 $0x800;
	s7 =	rddreg [dreg:$0x18]  }
0x3f: {  	[tilespmem:s12], [sflag:$0x1] =	stream.indirect_vreg.gather [hbm4b:s7+s4], $0x80, v4, vm0, $0xb8;
	[tilespmem:$0x18B00] =	vst v63  }
0x40: {  	s20 =	simm.s32 $0x1000;
	s8 =	rddreg [dreg:$0x19]  }
0x41: {  	[tilespmem:s20], [sflag:$0x1] =	stream.indirect_vreg.gather [hbm4b:s8+s4], $0x80, v4, vm0, $0xb8;
	[tilespmem:$0x18B00] =	vst v63  }
0x42: {  	s21 =	simm.s32 $0x1800;
	s9 =	rddreg [dreg:$0x1a]  }
0x43: {  	[tilespmem:s21], [sflag:$0x1] =	stream.indirect_vreg.gather [hbm4b:s9+s4], $0x80, v4, vm0, $0xb8;
	[tilespmem:$0x18B00] =	vst v63  }
0x44: {  	s23 =	simm.s32 $0x2000;
	s10 =	rddreg [dreg:$0x1b]  }
0x45: {  	[tilespmem:s23], [sflag:$0x1] =	stream.indirect_vreg.gather [hbm4b:s10+s4], $0x80, v4, vm0, $0xb8;
	[tilespmem:$0x18B00] =	vst v63  }
0x46: {  	s24 =	simm.s32 $0x2800;
	s11 =	rddreg [dreg:$0x1c];
	v3 =	vperm.xlane v3, v2  }
0x47: {  	[tilespmem:s24], [sflag:$0x1] =	stream.indirect_vreg.gather [hbm4b:s11+s4], $0x80, v4, vm0, $0xb8;
	[tilespmem:$0x18B00] =	vst v63  }
0x48: {  	s25 =	simm.s32 $0x3000;
	v3 =	vadd.s32 v1, v3;
	s12 =	rddreg [dreg:$0x1d]  }
0x49: {  	[tilespmem:s25], [sflag:$0x1] =	stream.indirect_vreg.gather [hbm4b:s12+s4], $0x80, v4, vm0, $0xb8;
	[tilespmem:$0x18B00] =	vst v63  }
0x4a: {  	s26 =	simm.s32 $0x3800;
	s1 =	rddreg [dreg:$0x1e]  }
0x4b: {  	[tilespmem:s26], [sflag:$0x1] =	stream.indirect_vreg.gather [hbm4b:s1+s4], $0x80, v4, vm0, $0xb8;
	[tilespmem:$0x18B00] =	vst v63  }
0x4c: {  	s29 =	simm.s32 $0x4000  }
0x4d: {  	[tilespmem:s29], [sflag:$0x1] =	stream.indirect_vreg.gather [hbm4b:s28+s4], $0x80, v3, vm0, $0xb8;
	[tilespmem:$0x18B00] =	vst v63  }
0x4e: {  	s30 =	simm.s32 $0x4800  }
0x4f: {  	[tilespmem:s30], [sflag:$0x1] =	stream.indirect_vreg.gather [hbm4b:s7+s4], $0x80, v3, vm0, $0xb8;
	[tilespmem:$0x18B00] =	vst v63  }
0x50: {  	s31 =	simm.s32 $0x5000  }
0x51: {  	[tilespmem:s31], [sflag:$0x1] =	stream.indirect_vreg.gather [hbm4b:s8+s4], $0x80, v3, vm0, $0xb8;
	[tilespmem:$0x18B00] =	vst v63  }
0x52: {  	s5 =	simm.s32 $0x5800  }
0x53: {  	[tilespmem:s5], [sflag:$0x1] =	stream.indirect_vreg.gather [hbm4b:s9+s4], $0x80, v3, vm0, $0xb8;
	[tilespmem:$0x18B00] =	vst v63  }
0x54: {  	s6 =	simm.s32 $0x6000  }
0x55: {  	[tilespmem:s6], [sflag:$0x1] =	stream.indirect_vreg.gather [hbm4b:s10+s4], $0x80, v3, vm0, $0xb8;
	[tilespmem:$0x18B00] =	vst v63  }
0x56: {  	s20 =	simm.s32 $0x6800  }
0x57: {  	[tilespmem:s20], [sflag:$0x1] =	stream.indirect_vreg.gather [hbm4b:s11+s4], $0x80, v3, vm0, $0xb8;
	[tilespmem:$0x18B00] =	vst v63  }
0x58: {  	s21 =	simm.s32 $0x7000  }
0x59: {  	[tilespmem:s21], [sflag:$0x1] =	stream.indirect_vreg.gather [hbm4b:s12+s4], $0x80, v3, vm0, $0xb8;
	[tilespmem:$0x18B00] =	vst v63  }
0x5a: {  	s24 =	simm.s32 $0x7800  }
0x5b: {  	[tilespmem:s24], [sflag:$0x1] =	stream.indirect_vreg.gather [hbm4b:s1+s4], $0x80, v3, vm0, $0xb8;
	[tilespmem:$0x18B00] =	vst v63  }
0x5c: {  	s23 =	rddreg [dreg:$0x8];
	s25 =	simm.s32 $0x18080  }
0x5d: {  	[tilespmem:s25], [sflag:$0x7] =	stream.linear.gather [hbm4b:s23+s4], $0x10, $0x38;
	[tilespmem:$0x18B00] =	vst v63  }
0x5e: {  	_ =	swait.ge [sflag:s22], $0x10  }
0x5f: {  	[sflag:s22] =	ssyncset.done $0x0  }
0x60: {  	s30 =	simm.s32 $0x18200;
	s26 =	rddreg [dreg:$0x9];
	[sflag:s22] =	ssyncadd.s32 $0xFFFFFFF0  }
0x61: {  	[tilespmem:s30], [sflag:$0x7] =	stream.linear.gather [hbm4b:s26+s4], $0x10, $0x38;
	[tilespmem:$0x18B00] =	vst v63  }
0x62: {  	_ =	swait.ge [sflag:s22], $0x10  }
0x63: {  	[sflag:s22] =	ssyncset.done $0x0  }
0x64: {  	[sflag:s22] =	ssyncadd.s32 $0xFFFFFFF0  }
0x65: {  	v3 =	vld [tilespmem:$0x18200];
	_ =	sdelay $0x4  }
0x66: {  	v49 =	vshll.u32 v3, $0x4  }
0x67: {  	v3 =	vand.u32 $0x7, v3;
	v4 =	vand.u32 $0xFFFFFF80, v49  }
0x68: {  	v3 =	vor.u32 v3, v4  }
0x69: {  	v4 =	vperm.xlane v3, v0;
	_ =	sdelay $0x1  }
0x6a: {  	v4 =	vadd.s32 v1, v4;
	_ =	sdelay $0x3  }
0x6b: {  	s31 =	simm.s32 $0x8000  }
0x6c: {  	[tilespmem:s31], [sflag:$0x2] =	stream.indirect_vreg.gather [hbm4b:s28+s4], $0x80, v4, vm0, $0xb8;
	[tilespmem:$0x18B00] =	vst v63  }
0x6d: {  	s5 =	simm.s32 $0x8800  }
0x6e: {  	[tilespmem:s5], [sflag:$0x2] =	stream.indirect_vreg.gather [hbm4b:s7+s4], $0x80, v4, vm0, $0xb8;
	[tilespmem:$0x18B00] =	vst v63  }
0x6f: {  	s20 =	simm.s32 $0x9000  }
0x70: {  	[tilespmem:s20], [sflag:$0x2] =	stream.indirect_vreg.gather [hbm4b:s8+s4], $0x80, v4, vm0, $0xb8;
	[tilespmem:$0x18B00] =	vst v63  }
0x71: {  	s21 =	simm.s32 $0x9800  }
0x72: {  	[tilespmem:s21], [sflag:$0x2] =	stream.indirect_vreg.gather [hbm4b:s9+s4], $0x80, v4, vm0, $0xb8;
	[tilespmem:$0x18B00] =	vst v63  }
0x73: {  	s23 =	simm.s32 $0xA000  }
0x74: {  	[tilespmem:s23], [sflag:$0x2] =	stream.indirect_vreg.gather [hbm4b:s10+s4], $0x80, v4, vm0, $0xb8;
	[tilespmem:$0x18B00] =	vst v63  }
0x75: {  	s24 =	simm.s32 $0xA800;
	v3 =	vperm.xlane v3, v2  }
0x76: {  	[tilespmem:s24], [sflag:$0x2] =	stream.indirect_vreg.gather [hbm4b:s11+s4], $0x80, v4, vm0, $0xb8;
	[tilespmem:$0x18B00] =	vst v63  }
0x77: {  	s25 =	simm.s32 $0xB000;
	v3 =	vadd.s32 v1, v3  }
0x78: {  	[tilespmem:s25], [sflag:$0x2] =	stream.indirect_vreg.gather [hbm4b:s12+s4], $0x80, v4, vm0, $0xb8;
	[tilespmem:$0x18B00] =	vst v63  }
0x79: {  	s26 =	simm.s32 $0xB800  }
0x7a: {  	[tilespmem:s26], [sflag:$0x2] =	stream.indirect_vreg.gather [hbm4b:s1+s4], $0x80, v4, vm0, $0xb8;
	[tilespmem:$0x18B00] =	vst v63  }
0x7b: {  	s29 =	simm.s32 $0xC000  }
0x7c: {  	[tilespmem:s29], [sflag:$0x2] =	stream.indirect_vreg.gather [hbm4b:s28+s4], $0x80, v3, vm0, $0xb8;
	[tilespmem:$0x18B00] =	vst v63  }
0x7d: {  	s30 =	simm.s32 $0xC800  }
0x7e: {  	[tilespmem:s30], [sflag:$0x2] =	stream.indirect_vreg.gather [hbm4b:s7+s4], $0x80, v3, vm0, $0xb8;
	[tilespmem:$0x18B00] =	vst v63  }
0x7f: {  	s31 =	simm.s32 $0xD000  }
0x80: {  	[tilespmem:s31], [sflag:$0x2] =	stream.indirect_vreg.gather [hbm4b:s8+s4], $0x80, v3, vm0, $0xb8;
	[tilespmem:$0x18B00] =	vst v63  }
0x81: {  	s5 =	simm.s32 $0xD800  }
0x82: {  	[tilespmem:s5], [sflag:$0x2] =	stream.indirect_vreg.gather [hbm4b:s9+s4], $0x80, v3, vm0, $0xb8;
	[tilespmem:$0x18B00] =	vst v63  }
0x83: {  	s20 =	simm.s32 $0xE000  }
0x84: {  	[tilespmem:s20], [sflag:$0x2] =	stream.indirect_vreg.gather [hbm4b:s10+s4], $0x80, v3, vm0, $0xb8;
	[tilespmem:$0x18B00] =	vst v63  }
0x85: {  	s21 =	simm.s32 $0xE800  }
0x86: {  	[tilespmem:s21], [sflag:$0x2] =	stream.indirect_vreg.gather [hbm4b:s11+s4], $0x80, v3, vm0, $0xb8;
	[tilespmem:$0x18B00] =	vst v63  }
0x87: {  	s23 =	simm.s32 $0xF000  }
0x88: {  	[tilespmem:s23], [sflag:$0x2] =	stream.indirect_vreg.gather [hbm4b:s12+s4], $0x80, v3, vm0, $0xb8;
	[tilespmem:$0x18B00] =	vst v63  }
0x89: {  	s25 =	simm.s32 $0xF800  }
0x8a: {  	[tilespmem:s25], [sflag:$0x2] =	stream.indirect_vreg.gather [hbm4b:s1+s4], $0x80, v3, vm0, $0xb8;
	[tilespmem:$0x18B00] =	vst v63  }
0x8b: {  	s24 =	rddreg [dreg:$0xa];
	s26 =	simm.s32 $0x18100  }
0x8c: {  	[tilespmem:s26], [sflag:$0x7] =	stream.linear.gather [hbm4b:s24+s4], $0x10, $0x38;
	[tilespmem:$0x18B00] =	vst v63  }
0x8d: {  	_ =	swait.ge [sflag:s22], $0x10  }
0x8e: {  	[sflag:s22] =	ssyncset.done $0x0  }
0x8f: {  	s31 =	simm.s32 $0x18280;
	s30 =	rddreg [dreg:$0xb];
	[sflag:s22] =	ssyncadd.s32 $0xFFFFFFF0  }
0x90: {  	[tilespmem:s31], [sflag:$0x7] =	stream.linear.gather [hbm4b:s30+s4], $0x10, $0x38;
	[tilespmem:$0x18B00] =	vst v63  }
0x91: {  	_ =	swait.ge [sflag:s22], $0x10  }
0x92: {  	[sflag:s22] =	ssyncset.done $0x0  }
0x93: {  	[sflag:s22] =	ssyncadd.s32 $0xFFFFFFF0  }
0x94: {  	v3 =	vld [tilespmem:$0x18280];
	_ =	sdelay $0x4  }
0x95: {  	v50 =	vshll.u32 v3, $0x4  }
0x96: {  	v3 =	vand.u32 $0x7, v3;
	v4 =	vand.u32 $0xFFFFFF80, v50  }
0x97: {  	v3 =	vor.u32 v3, v4  }
0x98: {  	v4 =	vperm.xlane v3, v0;
	_ =	sdelay $0x1  }
0x99: {  	v4 =	vadd.s32 v1, v4;
	_ =	sdelay $0x3  }
0x9a: {  	s5 =	simm.s32 $0x10000  }
0x9b: {  	[tilespmem:s5], [sflag:$0x3] =	stream.indirect_vreg.gather [hbm4b:s28+s4], $0x80, v4, vm0, $0xb8;
	[tilespmem:$0x18B00] =	vst v63  }
0x9c: {  	s20 =	simm.s32 $0x10800  }
0x9d: {  	[tilespmem:s20], [sflag:$0x3] =	stream.indirect_vreg.gather [hbm4b:s7+s4], $0x80, v4, vm0, $0xb8;
	[tilespmem:$0x18B00] =	vst v63  }
0x9e: {  	s21 =	simm.s32 $0x11000  }
0x9f: {  	[tilespmem:s21], [sflag:$0x3] =	stream.indirect_vreg.gather [hbm4b:s8+s4], $0x80, v4, vm0, $0xb8;
	[tilespmem:$0x18B00] =	vst v63  }
0xa0: {  	s23 =	simm.s32 $0x11800  }
0xa1: {  	[tilespmem:s23], [sflag:$0x3] =	stream.indirect_vreg.gather [hbm4b:s9+s4], $0x80, v4, vm0, $0xb8;
	[tilespmem:$0x18B00] =	vst v63  }
0xa2: {  	s24 =	simm.s32 $0x12000  }
0xa3: {  	[tilespmem:s24], [sflag:$0x3] =	stream.indirect_vreg.gather [hbm4b:s10+s4], $0x80, v4, vm0, $0xb8;
	[tilespmem:$0x18B00] =	vst v63  }
0xa4: {  	s25 =	simm.s32 $0x12800;
	v3 =	vperm.xlane v3, v2  }
0xa5: {  	[tilespmem:s25], [sflag:$0x3] =	stream.indirect_vreg.gather [hbm4b:s11+s4], $0x80, v4, vm0, $0xb8;
	[tilespmem:$0x18B00] =	vst v63  }
0xa6: {  	s26 =	simm.s32 $0x13000;
	v3 =	vadd.s32 v1, v3  }
0xa7: {  	[tilespmem:s26], [sflag:$0x3] =	stream.indirect_vreg.gather [hbm4b:s12+s4], $0x80, v4, vm0, $0xb8;
	[tilespmem:$0x18B00] =	vst v63  }
0xa8: {  	s29 =	simm.s32 $0x13800  }
0xa9: {  	[tilespmem:s29], [sflag:$0x3] =	stream.indirect_vreg.gather [hbm4b:s1+s4], $0x80, v4, vm0, $0xb8;
	[tilespmem:$0x18B00] =	vst v63  }
0xaa: {  	s30 =	simm.s32 $0x14000  }
0xab: {  	[tilespmem:s30], [sflag:$0x3] =	stream.indirect_vreg.gather [hbm4b:s28+s4], $0x80, v3, vm0, $0xb8;
	[tilespmem:$0x18B00] =	vst v63  }
0xac: {  	s31 =	simm.s32 $0x14800  }
0xad: {  	[tilespmem:s31], [sflag:$0x3] =	stream.indirect_vreg.gather [hbm4b:s7+s4], $0x80, v3, vm0, $0xb8;
	[tilespmem:$0x18B00] =	vst v63  }
0xae: {  	s5 =	simm.s32 $0x15000  }
0xaf: {  	[tilespmem:s5], [sflag:$0x3] =	stream.indirect_vreg.gather [hbm4b:s8+s4], $0x80, v3, vm0, $0xb8;
	[tilespmem:$0x18B00] =	vst v63  }
0xb0: {  	s20 =	simm.s32 $0x15800  }
0xb1: {  	[tilespmem:s20], [sflag:$0x3] =	stream.indirect_vreg.gather [hbm4b:s9+s4], $0x80, v3, vm0, $0xb8;
	[tilespmem:$0x18B00] =	vst v63  }
0xb2: {  	s21 =	simm.s32 $0x16000  }
0xb3: {  	[tilespmem:s21], [sflag:$0x3] =	stream.indirect_vreg.gather [hbm4b:s10+s4], $0x80, v3, vm0, $0xb8;
	[tilespmem:$0x18B00] =	vst v63  }
0xb4: {  	s23 =	simm.s32 $0x16800  }
0xb5: {  	[tilespmem:s23], [sflag:$0x3] =	stream.indirect_vreg.gather [hbm4b:s11+s4], $0x80, v3, vm0, $0xb8;
	[tilespmem:$0x18B00] =	vst v63  }
0xb6: {  	s24 =	simm.s32 $0x17000  }
0xb7: {  	[tilespmem:s24], [sflag:$0x3] =	stream.indirect_vreg.gather [hbm4b:s12+s4], $0x80, v3, vm0, $0xb8;
	[tilespmem:$0x18B00] =	vst v63  }
0xb8: {  	s25 =	simm.s32 $0x17800;
	s26 =	simm.s32 $0x1  }
0xb9: {  	[tilespmem:s25], [sflag:$0x3] =	stream.indirect_vreg.gather [hbm4b:s1+s4], $0x80, v3, vm0, $0xb8;
	[tilespmem:$0x18B00] =	vst v63  }
0xba: {  	_ =	swait.ge [sflag:s26], $0x8000  }
0xbb: {  	[sflag:s26] =	ssyncset.done $0x0  }
0xbc: {  	[sflag:s26] =	ssyncadd.s32 $0xFFFF8000  }
0xbd: {  	v3 =	vld [tilespmem:$0x18000];
	_ =	sdelay $0x4  }
0xbe: {  	v51 =	vshll.u32 v3, $0x4  }
0xbf: {  	v3 =	vand.u32 $0x7, v3;
	v4 =	vand.u32 $0xFFFFFF80, v51  }
0xc0: {  	v3 =	vor.u32 v3, v4  }
0xc1: {  	v4 =	vperm.xlane v3, v0;
	_ =	sdelay $0x1  }
0xc2: {  	v4 =	vadd.s32 v1, v4;
	_ =	sdelay $0x3  }
0xc3: {  	s0 =	rddreg [dreg:$0x3]  }
0xc4: {  	[hbm4b:s0+s4] =	stream.indirect_vreg.scatter [tilespmem:s4], [sflag:$0x4], $0x80, v4, vm0, $0xb8;
	[tilespmem:$0x18B00] =	vst v63  }
0xc5: {  	s5 =	simm.s32 $0x800  }
0xc6: {  	[hbm4b:s13+s4] =	stream.indirect_vreg.scatter [tilespmem:s5], [sflag:$0x4], $0x80, v4, vm0, $0xb8;
	[tilespmem:$0x18B00] =	vst v63  }
0xc7: {  	s21 =	simm.s32 $0x1000  }
0xc8: {  	[hbm4b:s14+s4] =	stream.indirect_vreg.scatter [tilespmem:s21], [sflag:$0x4], $0x80, v4, vm0, $0xb8;
	[tilespmem:$0x18B00] =	vst v63  }
0xc9: {  	s25 =	simm.s32 $0x1800  }
0xca: {  	[hbm4b:s15+s4] =	stream.indirect_vreg.scatter [tilespmem:s25], [sflag:$0x4], $0x80, v4, vm0, $0xb8;
	[tilespmem:$0x18B00] =	vst v63  }
0xcb: {  	s2 =	simm.s32 $0x2000  }
0xcc: {  	[hbm4b:s16+s4] =	stream.indirect_vreg.scatter [tilespmem:s2], [sflag:$0x4], $0x80, v4, vm0, $0xb8;
	[tilespmem:$0x18B00] =	vst v63  }
0xcd: {  	s3 =	simm.s32 $0x2800;
	v3 =	vperm.xlane v3, v2  }
0xce: {  	[hbm4b:s17+s4] =	stream.indirect_vreg.scatter [tilespmem:s3], [sflag:$0x4], $0x80, v4, vm0, $0xb8;
	[tilespmem:$0x18B00] =	vst v63  }
0xcf: {  	s26 =	simm.s32 $0x3000;
	v3 =	vadd.s32 v1, v3  }
0xd0: {  	[hbm4b:s18+s4] =	stream.indirect_vreg.scatter [tilespmem:s26], [sflag:$0x4], $0x80, v4, vm0, $0xb8;
	[tilespmem:$0x18B00] =	vst v63  }
0xd1: {  	s30 =	simm.s32 $0x3800  }
0xd2: {  	[hbm4b:s19+s4] =	stream.indirect_vreg.scatter [tilespmem:s30], [sflag:$0x4], $0x80, v4, vm0, $0xb8;
	[tilespmem:$0x18B00] =	vst v63  }
0xd3: {  	s31 =	simm.s32 $0x4000  }
0xd4: {  	[hbm4b:s0+s4] =	stream.indirect_vreg.scatter [tilespmem:s31], [sflag:$0x4], $0x80, v3, vm0, $0xb8;
	[tilespmem:$0x18B00] =	vst v63  }
0xd5: {  	s24 =	simm.s32 $0x4800  }
0xd6: {  	[hbm4b:s13+s4] =	stream.indirect_vreg.scatter [tilespmem:s24], [sflag:$0x4], $0x80, v3, vm0, $0xb8;
	[tilespmem:$0x18B00] =	vst v63  }
0xd7: {  	s20 =	simm.s32 $0x5000  }
0xd8: {  	[hbm4b:s14+s4] =	stream.indirect_vreg.scatter [tilespmem:s20], [sflag:$0x4], $0x80, v3, vm0, $0xb8;
	[tilespmem:$0x18B00] =	vst v63  }
0xd9: {  	s2 =	simm.s32 $0x5800  }
0xda: {  	[hbm4b:s15+s4] =	stream.indirect_vreg.scatter [tilespmem:s2], [sflag:$0x4], $0x80, v3, vm0, $0xb8;
	[tilespmem:$0x18B00] =	vst v63  }
0xdb: {  	s3 =	simm.s32 $0x6000  }
0xdc: {  	[hbm4b:s16+s4] =	stream.indirect_vreg.scatter [tilespmem:s3], [sflag:$0x4], $0x80, v3, vm0, $0xb8;
	[tilespmem:$0x18B00] =	vst v63  }
0xdd: {  	s23 =	simm.s32 $0x6800  }
0xde: {  	[hbm4b:s17+s4] =	stream.indirect_vreg.scatter [tilespmem:s23], [sflag:$0x4], $0x80, v3, vm0, $0xb8;
	[tilespmem:$0x18B00] =	vst v63  }
0xdf: {  	s6 =	simm.s32 $0x7000  }
0xe0: {  	[hbm4b:s18+s4] =	stream.indirect_vreg.scatter [tilespmem:s6], [sflag:$0x4], $0x80, v3, vm0, $0xb8;
	[tilespmem:$0x18B00] =	vst v63  }
0xe1: {  	s0 =	simm.s32 $0x7800;
	s6 =	simm.s32 $0x4  }
0xe2: {  	[hbm4b:s19+s4] =	stream.indirect_vreg.scatter [tilespmem:s0], [sflag:$0x4], $0x80, v3, vm0, $0xb8;
	[tilespmem:$0x18B00] =	vst v63  }
0xe3: {  	_ =	swait.ge [sflag:s6], $0x8000  }
0xe4: {  	[sflag:s6] =	ssyncset.done $0x0  }
0xe5: {  	s29 =	rddreg [dreg:$0xc];
	[sflag:s6] =	ssyncadd.s32 $0xFFFF8000;
	s6 =	simm.s32 $0x18000  }
0xe6: {  	[tilespmem:s6], [sflag:$0x7] =	stream.linear.gather [hbm4b:s29+s4], $0x10, $0x38;
	[tilespmem:$0x18B00] =	vst v63  }
0xe7: {  	_ =	swait.ge [sflag:s22], $0x10  }
0xe8: {  	[sflag:s22] =	ssyncset.done $0x0  }
0xe9: {  	s6 =	simm.s32 $0x18180;
	s29 =	rddreg [dreg:$0xd];
	[sflag:s22] =	ssyncadd.s32 $0xFFFFFFF0  }
0xea: {  	[tilespmem:s6], [sflag:$0x7] =	stream.linear.gather [hbm4b:s29+s4], $0x10, $0x38;
	[tilespmem:$0x18B00] =	vst v63  }
0xeb: {  	_ =	swait.ge [sflag:s22], $0x10  }
0xec: {  	[sflag:s22] =	ssyncset.done $0x0  }
0xed: {  	[sflag:s22] =	ssyncadd.s32 $0xFFFFFFF0  }
0xee: {  	v3 =	vld [tilespmem:$0x18180];
	_ =	sdelay $0x4  }
0xef: {  	v52 =	vshll.u32 v3, $0x4  }
0xf0: {  	v3 =	vand.u32 $0x7, v3;
	v4 =	vand.u32 $0xFFFFFF80, v52  }
0xf1: {  	v3 =	vor.u32 v3, v4  }
0xf2: {  	v4 =	vperm.xlane v3, v0;
	_ =	sdelay $0x1  }
0xf3: {  	v4 =	vadd.s32 v1, v4;
	_ =	sdelay $0x4  }
0xf4: {  	[tilespmem:s4], [sflag:$0x1] =	stream.indirect_vreg.gather [hbm4b:s28+s4], $0x80, v4, vm0, $0xb8;
	[tilespmem:$0x18B00] =	vst v63  }
0xf5: {  	_ = 	snop  }
0xf6: {  	[tilespmem:s5], [sflag:$0x1] =	stream.indirect_vreg.gather [hbm4b:s7+s4], $0x80, v4, vm0, $0xb8;
	[tilespmem:$0x18B00] =	vst v63  }
0xf7: {  	_ = 	snop  }
0xf8: {  	[tilespmem:s21], [sflag:$0x1] =	stream.indirect_vreg.gather [hbm4b:s8+s4], $0x80, v4, vm0, $0xb8;
	[tilespmem:$0x18B00] =	vst v63  }
0xf9: {  	_ = 	snop  }
0xfa: {  	[tilespmem:s25], [sflag:$0x1] =	stream.indirect_vreg.gather [hbm4b:s9+s4], $0x80, v4, vm0, $0xb8;
	[tilespmem:$0x18B00] =	vst v63  }
0xfb: {  	s29 =	simm.s32 $0x2000  }
0xfc: {  	[tilespmem:s29], [sflag:$0x1] =	stream.indirect_vreg.gather [hbm4b:s10+s4], $0x80, v4, vm0, $0xb8;
	[tilespmem:$0x18B00] =	vst v63  }
0xfd: {  	s6 =	simm.s32 $0x2800;
	v3 =	vperm.xlane v3, v2  }
0xfe: {  	[tilespmem:s6], [sflag:$0x1] =	stream.indirect_vreg.gather [hbm4b:s11+s4], $0x80, v4, vm0, $0xb8;
	[tilespmem:$0x18B00] =	vst v63  }
0xff: {  	v3 =	vadd.s32 v1, v3  }
0x100: {  	[tilespmem:s26], [sflag:$0x1] =	stream.indirect_vreg.gather [hbm4b:s12+s4], $0x80, v4, vm0, $0xb8;
	[tilespmem:$0x18B00] =	vst v63  }
0x101: {  	_ = 	snop  }
0x102: {  	[tilespmem:s30], [sflag:$0x1] =	stream.indirect_vreg.gather [hbm4b:s1+s4], $0x80, v4, vm0, $0xb8;
	[tilespmem:$0x18B00] =	vst v63  }
0x103: {  	_ = 	snop  }
0x104: {  	[tilespmem:s31], [sflag:$0x1] =	stream.indirect_vreg.gather [hbm4b:s28+s4], $0x80, v3, vm0, $0xb8;
	[tilespmem:$0x18B00] =	vst v63  }
0x105: {  	_ = 	snop  }
0x106: {  	[tilespmem:s24], [sflag:$0x1] =	stream.indirect_vreg.gather [hbm4b:s7+s4], $0x80, v3, vm0, $0xb8;
	[tilespmem:$0x18B00] =	vst v63  }
0x107: {  	_ = 	snop  }
0x108: {  	[tilespmem:s20], [sflag:$0x1] =	stream.indirect_vreg.gather [hbm4b:s8+s4], $0x80, v3, vm0, $0xb8;
	[tilespmem:$0x18B00] =	vst v63  }
0x109: {  	_ = 	snop  }
0x10a: {  	[tilespmem:s2], [sflag:$0x1] =	stream.indirect_vreg.gather [hbm4b:s9+s4], $0x80, v3, vm0, $0xb8;
	[tilespmem:$0x18B00] =	vst v63  }
0x10b: {  	_ = 	snop  }
0x10c: {  	[tilespmem:s3], [sflag:$0x1] =	stream.indirect_vreg.gather [hbm4b:s10+s4], $0x80, v3, vm0, $0xb8;
	[tilespmem:$0x18B00] =	vst v63  }
0x10d: {  	_ = 	snop  }
0x10e: {  	[tilespmem:s23], [sflag:$0x1] =	stream.indirect_vreg.gather [hbm4b:s11+s4], $0x80, v3, vm0, $0xb8;
	[tilespmem:$0x18B00] =	vst v63  }
0x10f: {  	s21 =	simm.s32 $0x7000  }
0x110: {  	[tilespmem:s21], [sflag:$0x1] =	stream.indirect_vreg.gather [hbm4b:s12+s4], $0x80, v3, vm0, $0xb8;
	[tilespmem:$0x18B00] =	vst v63  }
0x111: {  	s23 =	simm.s32 $0x2  }
0x112: {  	[tilespmem:s0], [sflag:$0x1] =	stream.indirect_vreg.gather [hbm4b:s1+s4], $0x80, v3, vm0, $0xb8;
	[tilespmem:$0x18B00] =	vst v63  }
0x113: {  	_ =	swait.ge [sflag:s23], $0x8000  }
0x114: {  	[sflag:s23] =	ssyncset.done $0x0  }
0x115: {  	[sflag:s23] =	ssyncadd.s32 $0xFFFF8000  }
0x116: {  	v3 =	vld [tilespmem:$0x18080];
	_ =	sdelay $0x4  }
0x117: {  	v53 =	vshll.u32 v3, $0x4  }
0x118: {  	v3 =	vand.u32 $0x7, v3;
	v4 =	vand.u32 $0xFFFFFF80, v53  }
0x119: {  	v3 =	vor.u32 v3, v4  }
0x11a: {  	v4 =	vperm.xlane v3, v0;
	_ =	sdelay $0x1  }
0x11b: {  	v4 =	vadd.s32 v1, v4;
	_ =	sdelay $0x3  }
0x11c: {  	s0 =	simm.s32 $0x8000;
	s24 =	rddreg [dreg:$0x3]  }
0x11d: {  	[hbm4b:s24+s4] =	stream.indirect_vreg.scatter [tilespmem:s0], [sflag:$0x5], $0x80, v4, vm0, $0xb8;
	[tilespmem:$0x18B00] =	vst v63  }
0x11e: {  	s26 =	simm.s32 $0x8800  }
0x11f: {  	[hbm4b:s13+s4] =	stream.indirect_vreg.scatter [tilespmem:s26], [sflag:$0x5], $0x80, v4, vm0, $0xb8;
	[tilespmem:$0x18B00] =	vst v63  }
0x120: {  	s3 =	simm.s32 $0x9000  }
0x121: {  	[hbm4b:s14+s4] =	stream.indirect_vreg.scatter [tilespmem:s3], [sflag:$0x5], $0x80, v4, vm0, $0xb8;
	[tilespmem:$0x18B00] =	vst v63  }
0x122: {  	s5 =	simm.s32 $0x9800  }
0x123: {  	[hbm4b:s15+s4] =	stream.indirect_vreg.scatter [tilespmem:s5], [sflag:$0x5], $0x80, v4, vm0, $0xb8;
	[tilespmem:$0x18B00] =	vst v63  }
0x124: {  	s25 =	simm.s32 $0xA000  }
0x125: {  	[hbm4b:s16+s4] =	stream.indirect_vreg.scatter [tilespmem:s25], [sflag:$0x5], $0x80, v4, vm0, $0xb8;
	[tilespmem:$0x18B00] =	vst v63  }
0x126: {  	s29 =	simm.s32 $0xA800;
	v3 =	vperm.xlane v3, v2  }
0x127: {  	[hbm4b:s17+s4] =	stream.indirect_vreg.scatter [tilespmem:s29], [sflag:$0x5], $0x80, v4, vm0, $0xb8;
	[tilespmem:$0x18B00] =	vst v63  }
0x128: {  	s20 =	simm.s32 $0xB000;
	v3 =	vadd.s32 v1, v3  }
0x129: {  	[hbm4b:s18+s4] =	stream.indirect_vreg.scatter [tilespmem:s20], [sflag:$0x5], $0x80, v4, vm0, $0xb8;
	[tilespmem:$0x18B00] =	vst v63  }
0x12a: {  	s21 =	simm.s32 $0xB800  }
0x12b: {  	[hbm4b:s19+s4] =	stream.indirect_vreg.scatter [tilespmem:s21], [sflag:$0x5], $0x80, v4, vm0, $0xb8;
	[tilespmem:$0x18B00] =	vst v63  }
0x12c: {  	s2 =	simm.s32 $0xC000  }
0x12d: {  	[hbm4b:s24+s4] =	stream.indirect_vreg.scatter [tilespmem:s2], [sflag:$0x5], $0x80, v3, vm0, $0xb8;
	[tilespmem:$0x18B00] =	vst v63  }
0x12e: {  	s6 =	simm.s32 $0xC800  }
0x12f: {  	[hbm4b:s13+s4] =	stream.indirect_vreg.scatter [tilespmem:s6], [sflag:$0x5], $0x80, v3, vm0, $0xb8;
	[tilespmem:$0x18B00] =	vst v63  }
0x130: {  	s23 =	simm.s32 $0xD000  }
0x131: {  	[hbm4b:s14+s4] =	stream.indirect_vreg.scatter [tilespmem:s23], [sflag:$0x5], $0x80, v3, vm0, $0xb8;
	[tilespmem:$0x18B00] =	vst v63  }
0x132: {  	s24 =	simm.s32 $0xD800  }
0x133: {  	[hbm4b:s15+s4] =	stream.indirect_vreg.scatter [tilespmem:s24], [sflag:$0x5], $0x80, v3, vm0, $0xb8;
	[tilespmem:$0x18B00] =	vst v63  }
0x134: {  	s25 =	simm.s32 $0xE000  }
0x135: {  	[hbm4b:s16+s4] =	stream.indirect_vreg.scatter [tilespmem:s25], [sflag:$0x5], $0x80, v3, vm0, $0xb8;
	[tilespmem:$0x18B00] =	vst v63  }
0x136: {  	s31 =	simm.s32 $0xE800  }
0x137: {  	[hbm4b:s17+s4] =	stream.indirect_vreg.scatter [tilespmem:s31], [sflag:$0x5], $0x80, v3, vm0, $0xb8;
	[tilespmem:$0x18B00] =	vst v63  }
0x138: {  	s30 =	simm.s32 $0xF000  }
0x139: {  	[hbm4b:s18+s4] =	stream.indirect_vreg.scatter [tilespmem:s30], [sflag:$0x5], $0x80, v3, vm0, $0xb8;
	[tilespmem:$0x18B00] =	vst v63  }
0x13a: {  	s30 =	simm.s32 $0xF800  }
0x13b: {  	[hbm4b:s19+s4] =	stream.indirect_vreg.scatter [tilespmem:s30], [sflag:$0x5], $0x80, v3, vm0, $0xb8;
	[tilespmem:$0x18B00] =	vst v63  }
0x13c: {  	s30 =	simm.s32 $0x5  }
0x13d: {  	_ =	swait.ge [sflag:s30], $0x8000  }
0x13e: {  	[sflag:s30] =	ssyncset.done $0x0  }
0x13f: {  	s29 =	rddreg [dreg:$0xe];
	[sflag:s30] =	ssyncadd.s32 $0xFFFF8000;
	s30 =	simm.s32 $0x18080  }
0x140: {  	[tilespmem:s30], [sflag:$0x7] =	stream.linear.gather [hbm4b:s29+s4], $0x10, $0x38;
	[tilespmem:$0x18B00] =	vst v63  }
0x141: {  	_ =	swait.ge [sflag:s22], $0x10  }
0x142: {  	[sflag:s22] =	ssyncset.done $0x0  }
0x143: {  	s30 =	simm.s32 $0x18200;
	s29 =	rddreg [dreg:$0xf];
	[sflag:s22] =	ssyncadd.s32 $0xFFFFFFF0  }
0x144: {  	[tilespmem:s30], [sflag:$0x7] =	stream.linear.gather [hbm4b:s29+s4], $0x10, $0x38;
	[tilespmem:$0x18B00] =	vst v63  }
0x145: {  	_ =	swait.ge [sflag:s22], $0x10  }
0x146: {  	[sflag:s22] =	ssyncset.done $0x0  }
0x147: {  	[sflag:s22] =	ssyncadd.s32 $0xFFFFFFF0  }
0x148: {  	v3 =	vld [tilespmem:$0x18200];
	_ =	sdelay $0x4  }
0x149: {  	v54 =	vshll.u32 v3, $0x4  }
0x14a: {  	v3 =	vand.u32 $0x7, v3;
	v4 =	vand.u32 $0xFFFFFF80, v54  }
0x14b: {  	v3 =	vor.u32 v3, v4  }
0x14c: {  	v4 =	vperm.xlane v3, v0;
	_ =	sdelay $0x1  }
0x14d: {  	v4 =	vadd.s32 v1, v4;
	_ =	sdelay $0x4  }
0x14e: {  	[tilespmem:s0], [sflag:$0x2] =	stream.indirect_vreg.gather [hbm4b:s28+s4], $0x80, v4, vm0, $0xb8;
	[tilespmem:$0x18B00] =	vst v63  }
0x14f: {  	_ = 	snop  }
0x150: {  	[tilespmem:s26], [sflag:$0x2] =	stream.indirect_vreg.gather [hbm4b:s7+s4], $0x80, v4, vm0, $0xb8;
	[tilespmem:$0x18B00] =	vst v63  }
0x151: {  	_ = 	snop  }
0x152: {  	[tilespmem:s3], [sflag:$0x2] =	stream.indirect_vreg.gather [hbm4b:s8+s4], $0x80, v4, vm0, $0xb8;
	[tilespmem:$0x18B00] =	vst v63  }
0x153: {  	_ = 	snop  }
0x154: {  	[tilespmem:s5], [sflag:$0x2] =	stream.indirect_vreg.gather [hbm4b:s9+s4], $0x80, v4, vm0, $0xb8;
	[tilespmem:$0x18B00] =	vst v63  }
0x155: {  	s3 =	simm.s32 $0xA000  }
0x156: {  	[tilespmem:s3], [sflag:$0x2] =	stream.indirect_vreg.gather [hbm4b:s10+s4], $0x80, v4, vm0, $0xb8;
	[tilespmem:$0x18B00] =	vst v63  }
0x157: {  	v3 =	vperm.xlane v3, v2;
	s5 =	simm.s32 $0xA800  }
0x158: {  	[tilespmem:s5], [sflag:$0x2] =	stream.indirect_vreg.gather [hbm4b:s11+s4], $0x80, v4, vm0, $0xb8;
	[tilespmem:$0x18B00] =	vst v63  }
0x159: {  	v3 =	vadd.s32 v1, v3  }
0x15a: {  	[tilespmem:s20], [sflag:$0x2] =	stream.indirect_vreg.gather [hbm4b:s12+s4], $0x80, v4, vm0, $0xb8;
	[tilespmem:$0x18B00] =	vst v63  }
0x15b: {  	_ = 	snop  }
0x15c: {  	[tilespmem:s21], [sflag:$0x2] =	stream.indirect_vreg.gather [hbm4b:s1+s4], $0x80, v4, vm0, $0xb8;
	[tilespmem:$0x18B00] =	vst v63  }
0x15d: {  	_ = 	snop  }
0x15e: {  	[tilespmem:s2], [sflag:$0x2] =	stream.indirect_vreg.gather [hbm4b:s28+s4], $0x80, v3, vm0, $0xb8;
	[tilespmem:$0x18B00] =	vst v63  }
0x15f: {  	_ = 	snop  }
0x160: {  	[tilespmem:s6], [sflag:$0x2] =	stream.indirect_vreg.gather [hbm4b:s7+s4], $0x80, v3, vm0, $0xb8;
	[tilespmem:$0x18B00] =	vst v63  }
0x161: {  	_ = 	snop  }
0x162: {  	[tilespmem:s23], [sflag:$0x2] =	stream.indirect_vreg.gather [hbm4b:s8+s4], $0x80, v3, vm0, $0xb8;
	[tilespmem:$0x18B00] =	vst v63  }
0x163: {  	_ = 	snop  }
0x164: {  	[tilespmem:s24], [sflag:$0x2] =	stream.indirect_vreg.gather [hbm4b:s9+s4], $0x80, v3, vm0, $0xb8;
	[tilespmem:$0x18B00] =	vst v63  }
0x165: {  	_ = 	snop  }
0x166: {  	[tilespmem:s25], [sflag:$0x2] =	stream.indirect_vreg.gather [hbm4b:s10+s4], $0x80, v3, vm0, $0xb8;
	[tilespmem:$0x18B00] =	vst v63  }
0x167: {  	_ = 	snop  }
0x168: {  	[tilespmem:s31], [sflag:$0x2] =	stream.indirect_vreg.gather [hbm4b:s11+s4], $0x80, v3, vm0, $0xb8;
	[tilespmem:$0x18B00] =	vst v63  }
0x169: {  	s25 =	simm.s32 $0xF000  }
0x16a: {  	[tilespmem:s25], [sflag:$0x2] =	stream.indirect_vreg.gather [hbm4b:s12+s4], $0x80, v3, vm0, $0xb8;
	[tilespmem:$0x18B00] =	vst v63  }
0x16b: {  	s26 =	simm.s32 $0xF800;
	s28 =	simm.s32 $0x3  }
0x16c: {  	[tilespmem:s26], [sflag:$0x2] =	stream.indirect_vreg.gather [hbm4b:s1+s4], $0x80, v3, vm0, $0xb8;
	[tilespmem:$0x18B00] =	vst v63  }
0x16d: {  	_ =	swait.ge [sflag:s28], $0x8000  }
0x16e: {  	[sflag:s28] =	ssyncset.done $0x0  }
0x16f: {  	[sflag:s28] =	ssyncadd.s32 $0xFFFF8000  }
0x170: {  	v3 =	vld [tilespmem:$0x18100];
	_ =	sdelay $0x4  }
0x171: {  	v55 =	vshll.u32 v3, $0x4  }
0x172: {  	v3 =	vand.u32 $0x7, v3;
	v4 =	vand.u32 $0xFFFFFF80, v55  }
0x173: {  	v3 =	vor.u32 v3, v4  }
0x174: {  	v4 =	vperm.xlane v3, v0;
	_ =	sdelay $0x1  }
0x175: {  	v4 =	vadd.s32 v1, v4;
	_ =	sdelay $0x3  }
0x176: {  	s30 =	simm.s32 $0x10000;
	s29 =	rddreg [dreg:$0x3]  }
0x177: {  	[hbm4b:s29+s4] =	stream.indirect_vreg.scatter [tilespmem:s30], [sflag:$0x6], $0x80, v4, vm0, $0xb8;
	[tilespmem:$0x18B00] =	vst v63  }
0x178: {  	s2 =	simm.s32 $0x10800  }
0x179: {  	[hbm4b:s13+s4] =	stream.indirect_vreg.scatter [tilespmem:s2], [sflag:$0x6], $0x80, v4, vm0, $0xb8;
	[tilespmem:$0x18B00] =	vst v63  }
0x17a: {  	s3 =	simm.s32 $0x11000  }
0x17b: {  	[hbm4b:s14+s4] =	stream.indirect_vreg.scatter [tilespmem:s3], [sflag:$0x6], $0x80, v4, vm0, $0xb8;
	[tilespmem:$0x18B00] =	vst v63  }
0x17c: {  	s5 =	simm.s32 $0x11800  }
0x17d: {  	[hbm4b:s15+s4] =	stream.indirect_vreg.scatter [tilespmem:s5], [sflag:$0x6], $0x80, v4, vm0, $0xb8;
	[tilespmem:$0x18B00] =	vst v63  }
0x17e: {  	s31 =	simm.s32 $0x12000  }
0x17f: {  	[hbm4b:s16+s4] =	stream.indirect_vreg.scatter [tilespmem:s31], [sflag:$0x6], $0x80, v4, vm0, $0xb8;
	[tilespmem:$0x18B00] =	vst v63  }
0x180: {  	s0 =	simm.s32 $0x12800;
	v3 =	vperm.xlane v3, v2  }
0x181: {  	[hbm4b:s17+s4] =	stream.indirect_vreg.scatter [tilespmem:s0], [sflag:$0x6], $0x80, v4, vm0, $0xb8;
	[tilespmem:$0x18B00] =	vst v63  }
0x182: {  	s6 =	simm.s32 $0x13000;
	v3 =	vadd.s32 v1, v3  }
0x183: {  	[hbm4b:s18+s4] =	stream.indirect_vreg.scatter [tilespmem:s6], [sflag:$0x6], $0x80, v4, vm0, $0xb8;
	[tilespmem:$0x18B00] =	vst v63  }
0x184: {  	s20 =	simm.s32 $0x13800  }
0x185: {  	[hbm4b:s19+s4] =	stream.indirect_vreg.scatter [tilespmem:s20], [sflag:$0x6], $0x80, v4, vm0, $0xb8;
	[tilespmem:$0x18B00] =	vst v63  }
0x186: {  	s23 =	simm.s32 $0x14000  }
0x187: {  	[hbm4b:s29+s4] =	stream.indirect_vreg.scatter [tilespmem:s23], [sflag:$0x6], $0x80, v3, vm0, $0xb8;
	[tilespmem:$0x18B00] =	vst v63  }
0x188: {  	s25 =	simm.s32 $0x14800  }
0x189: {  	[hbm4b:s13+s4] =	stream.indirect_vreg.scatter [tilespmem:s25], [sflag:$0x6], $0x80, v3, vm0, $0xb8;
	[tilespmem:$0x18B00] =	vst v63  }
0x18a: {  	s26 =	simm.s32 $0x15000  }
0x18b: {  	[hbm4b:s14+s4] =	stream.indirect_vreg.scatter [tilespmem:s26], [sflag:$0x6], $0x80, v3, vm0, $0xb8;
	[tilespmem:$0x18B00] =	vst v63  }
0x18c: {  	s21 =	simm.s32 $0x15800  }
0x18d: {  	[hbm4b:s15+s4] =	stream.indirect_vreg.scatter [tilespmem:s21], [sflag:$0x6], $0x80, v3, vm0, $0xb8;
	[tilespmem:$0x18B00] =	vst v63  }
0x18e: {  	s24 =	simm.s32 $0x16000  }
0x18f: {  	[hbm4b:s16+s4] =	stream.indirect_vreg.scatter [tilespmem:s24], [sflag:$0x6], $0x80, v3, vm0, $0xb8;
	[tilespmem:$0x18B00] =	vst v63  }
0x190: {  	s28 =	simm.s32 $0x16800  }
0x191: {  	[hbm4b:s17+s4] =	stream.indirect_vreg.scatter [tilespmem:s28], [sflag:$0x6], $0x80, v3, vm0, $0xb8;
	[tilespmem:$0x18B00] =	vst v63  }
0x192: {  	s30 =	simm.s32 $0x17000  }
0x193: {  	[hbm4b:s18+s4] =	stream.indirect_vreg.scatter [tilespmem:s30], [sflag:$0x6], $0x80, v3, vm0, $0xb8;
	[tilespmem:$0x18B00] =	vst v63  }
0x194: {  	s31 =	simm.s32 $0x17800;
	s0 =	simm.s32 $0x6  }
0x195: {  	[hbm4b:s19+s4] =	stream.indirect_vreg.scatter [tilespmem:s31], [sflag:$0x6], $0x80, v3, vm0, $0xb8;
	[tilespmem:$0x18B00] =	vst v63  }
0x196: {  	_ =	swait.ge [sflag:s0], $0x8000  }
0x197: {  	[sflag:s0] =	ssyncset.done $0x0  }
0x198: {  	s29 =	rddreg [dreg:$0x10];
	[sflag:s0] =	ssyncadd.s32 $0xFFFF8000;
	s0 =	simm.s32 $0x18100  }
0x199: {  	[tilespmem:s0], [sflag:$0x7] =	stream.linear.gather [hbm4b:s29+s4], $0x10, $0x38;
	[tilespmem:$0x18B00] =	vst v63  }
0x19a: {  	_ =	swait.ge [sflag:s22], $0x10  }
0x19b: {  	[sflag:s22] =	ssyncset.done $0x0  }
0x19c: {  	s0 =	simm.s32 $0x18280;
	s29 =	rddreg [dreg:$0x11];
	[sflag:s22] =	ssyncadd.s32 $0xFFFFFFF0  }
0x19d: {  	[tilespmem:s0], [sflag:$0x7] =	stream.linear.gather [hbm4b:s29+s4], $0x10, $0x38;
	[tilespmem:$0x18B00] =	vst v63  }
0x19e: {  	_ =	swait.ge [sflag:s22], $0x10  }
0x19f: {  	[sflag:s22] =	ssyncset.done $0x0  }
0x1a0: {  	[sflag:s22] =	ssyncadd.s32 $0xFFFFFFF0  }
0x1a1: {  	v3 =	vld [tilespmem:$0x18280];
	_ =	sdelay $0x4  }
0x1a2: {  	v56 =	vshll.u32 v3, $0x4  }
0x1a3: {  	v3 =	vand.u32 $0x7, v3;
	v4 =	vand.u32 $0xFFFFFF80, v56  }
0x1a4: {  	v3 =	vor.u32 v3, v4  }
0x1a5: {  	v4 =	vperm.xlane v3, v0;
	_ =	sdelay $0x1  }
0x1a6: {  	v4 =	vadd.s32 v1, v4;
	_ =	sdelay $0x3  }
0x1a7: {  	s0 =	simm.s32 $0x10000;
	s29 =	rddreg [dreg:$0x1]  }
0x1a8: {  	[tilespmem:s0], [sflag:$0x3] =	stream.indirect_vreg.gather [hbm4b:s29+s4], $0x80, v4, vm0, $0xb8;
	[tilespmem:$0x18B00] =	vst v63  }
0x1a9: {  	_ = 	snop  }
0x1aa: {  	[tilespmem:s2], [sflag:$0x3] =	stream.indirect_vreg.gather [hbm4b:s7+s4], $0x80, v4, vm0, $0xb8;
	[tilespmem:$0x18B00] =	vst v63  }
0x1ab: {  	_ = 	snop  }
0x1ac: {  	[tilespmem:s3], [sflag:$0x3] =	stream.indirect_vreg.gather [hbm4b:s8+s4], $0x80, v4, vm0, $0xb8;
	[tilespmem:$0x18B00] =	vst v63  }
0x1ad: {  	_ = 	snop  }
0x1ae: {  	[tilespmem:s5], [sflag:$0x3] =	stream.indirect_vreg.gather [hbm4b:s9+s4], $0x80, v4, vm0, $0xb8;
	[tilespmem:$0x18B00] =	vst v63  }
0x1af: {  	s2 =	simm.s32 $0x12000  }
0x1b0: {  	[tilespmem:s2], [sflag:$0x3] =	stream.indirect_vreg.gather [hbm4b:s10+s4], $0x80, v4, vm0, $0xb8;
	[tilespmem:$0x18B00] =	vst v63  }
0x1b1: {  	v3 =	vperm.xlane v3, v2;
	s3 =	simm.s32 $0x12800  }
0x1b2: {  	[tilespmem:s3], [sflag:$0x3] =	stream.indirect_vreg.gather [hbm4b:s11+s4], $0x80, v4, vm0, $0xb8;
	[tilespmem:$0x18B00] =	vst v63  }
0x1b3: {  	v3 =	vadd.s32 v1, v3  }
0x1b4: {  	[tilespmem:s6], [sflag:$0x3] =	stream.indirect_vreg.gather [hbm4b:s12+s4], $0x80, v4, vm0, $0xb8;
	[tilespmem:$0x18B00] =	vst v63  }
0x1b5: {  	_ = 	snop  }
0x1b6: {  	[tilespmem:s20], [sflag:$0x3] =	stream.indirect_vreg.gather [hbm4b:s1+s4], $0x80, v4, vm0, $0xb8;
	[tilespmem:$0x18B00] =	vst v63  }
0x1b7: {  	_ = 	snop  }
0x1b8: {  	[tilespmem:s23], [sflag:$0x3] =	stream.indirect_vreg.gather [hbm4b:s29+s4], $0x80, v3, vm0, $0xb8;
	[tilespmem:$0x18B00] =	vst v63  }
0x1b9: {  	_ = 	snop  }
0x1ba: {  	[tilespmem:s25], [sflag:$0x3] =	stream.indirect_vreg.gather [hbm4b:s7+s4], $0x80, v3, vm0, $0xb8;
	[tilespmem:$0x18B00] =	vst v63  }
0x1bb: {  	_ = 	snop  }
0x1bc: {  	[tilespmem:s26], [sflag:$0x3] =	stream.indirect_vreg.gather [hbm4b:s8+s4], $0x80, v3, vm0, $0xb8;
	[tilespmem:$0x18B00] =	vst v63  }
0x1bd: {  	_ = 	snop  }
0x1be: {  	[tilespmem:s21], [sflag:$0x3] =	stream.indirect_vreg.gather [hbm4b:s9+s4], $0x80, v3, vm0, $0xb8;
	[tilespmem:$0x18B00] =	vst v63  }
0x1bf: {  	_ = 	snop  }
0x1c0: {  	[tilespmem:s24], [sflag:$0x3] =	stream.indirect_vreg.gather [hbm4b:s10+s4], $0x80, v3, vm0, $0xb8;
	[tilespmem:$0x18B00] =	vst v63  }
0x1c1: {  	_ = 	snop  }
0x1c2: {  	[tilespmem:s28], [sflag:$0x3] =	stream.indirect_vreg.gather [hbm4b:s11+s4], $0x80, v3, vm0, $0xb8;
	[tilespmem:$0x18B00] =	vst v63  }
0x1c3: {  	_ = 	snop  }
0x1c4: {  	[tilespmem:s30], [sflag:$0x3] =	stream.indirect_vreg.gather [hbm4b:s12+s4], $0x80, v3, vm0, $0xb8;
	[tilespmem:$0x18B00] =	vst v63  }
0x1c5: {  	s5 =	simm.s32 $0x1  }
0x1c6: {  	[tilespmem:s31], [sflag:$0x3] =	stream.indirect_vreg.gather [hbm4b:s1+s4], $0x80, v3, vm0, $0xb8;
	[tilespmem:$0x18B00] =	vst v63  }
0x1c7: {  	_ =	swait.ge [sflag:s5], $0x8000  }
0x1c8: {  	[sflag:s5] =	ssyncset.done $0x0  }
0x1c9: {  	[sflag:s5] =	ssyncadd.s32 $0xFFFF8000  }
0x1ca: {  	v3 =	vld [tilespmem:$0x18000];
	_ =	sdelay $0x4  }
0x1cb: {  	v57 =	vshll.u32 v3, $0x4  }
0x1cc: {  	v3 =	vand.u32 $0x7, v3;
	v4 =	vand.u32 $0xFFFFFF80, v57  }
0x1cd: {  	v3 =	vor.u32 v3, v4  }
0x1ce: {  	v4 =	vperm.xlane v3, v0;
	_ =	sdelay $0x1  }
0x1cf: {  	v4 =	vadd.s32 v1, v4;
	_ =	sdelay $0x3  }
0x1d0: {  	s20 =	rddreg [dreg:$0x3]  }
0x1d1: {  	[hbm4b:s20+s4] =	stream.indirect_vreg.scatter [tilespmem:s4], [sflag:$0x4], $0x80, v4, vm0, $0xb8;
	[tilespmem:$0x18B00] =	vst v63  }
0x1d2: {  	s5 =	simm.s32 $0x800  }
0x1d3: {  	[hbm4b:s13+s4] =	stream.indirect_vreg.scatter [tilespmem:s5], [sflag:$0x4], $0x80, v4, vm0, $0xb8;
	[tilespmem:$0x18B00] =	vst v63  }
0x1d4: {  	s21 =	simm.s32 $0x1000  }
0x1d5: {  	[hbm4b:s14+s4] =	stream.indirect_vreg.scatter [tilespmem:s21], [sflag:$0x4], $0x80, v4, vm0, $0xb8;
	[tilespmem:$0x18B00] =	vst v63  }
0x1d6: {  	s25 =	simm.s32 $0x1800  }
0x1d7: {  	[hbm4b:s15+s4] =	stream.indirect_vreg.scatter [tilespmem:s25], [sflag:$0x4], $0x80, v4, vm0, $0xb8;
	[tilespmem:$0x18B00] =	vst v63  }
0x1d8: {  	s0 =	simm.s32 $0x2000  }
0x1d9: {  	[hbm4b:s16+s4] =	stream.indirect_vreg.scatter [tilespmem:s0], [sflag:$0x4], $0x80, v4, vm0, $0xb8;
	[tilespmem:$0x18B00] =	vst v63  }
0x1da: {  	s23 =	simm.s32 $0x2800;
	v3 =	vperm.xlane v3, v2  }
0x1db: {  	[hbm4b:s17+s4] =	stream.indirect_vreg.scatter [tilespmem:s23], [sflag:$0x4], $0x80, v4, vm0, $0xb8;
	[tilespmem:$0x18B00] =	vst v63  }
0x1dc: {  	s28 =	simm.s32 $0x3000;
	v3 =	vadd.s32 v1, v3  }
0x1dd: {  	[hbm4b:s18+s4] =	stream.indirect_vreg.scatter [tilespmem:s28], [sflag:$0x4], $0x80, v4, vm0, $0xb8;
	[tilespmem:$0x18B00] =	vst v63  }
0x1de: {  	s24 =	simm.s32 $0x3800  }
0x1df: {  	[hbm4b:s19+s4] =	stream.indirect_vreg.scatter [tilespmem:s24], [sflag:$0x4], $0x80, v4, vm0, $0xb8;
	[tilespmem:$0x18B00] =	vst v63  }
0x1e0: {  	s26 =	simm.s32 $0x4000  }
0x1e1: {  	[hbm4b:s20+s4] =	stream.indirect_vreg.scatter [tilespmem:s26], [sflag:$0x4], $0x80, v3, vm0, $0xb8;
	[tilespmem:$0x18B00] =	vst v63  }
0x1e2: {  	s30 =	simm.s32 $0x4800  }
0x1e3: {  	[hbm4b:s13+s4] =	stream.indirect_vreg.scatter [tilespmem:s30], [sflag:$0x4], $0x80, v3, vm0, $0xb8;
	[tilespmem:$0x18B00] =	vst v63  }
0x1e4: {  	s31 =	simm.s32 $0x5000  }
0x1e5: {  	[hbm4b:s14+s4] =	stream.indirect_vreg.scatter [tilespmem:s31], [sflag:$0x4], $0x80, v3, vm0, $0xb8;
	[tilespmem:$0x18B00] =	vst v63  }
0x1e6: {  	s6 =	smov.u32 s29;
	s29 =	simm.s32 $0x5800  }
0x1e7: {  	[hbm4b:s15+s4] =	stream.indirect_vreg.scatter [tilespmem:s29], [sflag:$0x4], $0x80, v3, vm0, $0xb8;
	[tilespmem:$0x18B00] =	vst v63  }
0x1e8: {  	s3 =	simm.s32 $0x6000  }
0x1e9: {  	[hbm4b:s16+s4] =	stream.indirect_vreg.scatter [tilespmem:s3], [sflag:$0x4], $0x80, v3, vm0, $0xb8;
	[tilespmem:$0x18B00] =	vst v63  }
0x1ea: {  	s20 =	simm.s32 $0x6800  }
0x1eb: {  	[hbm4b:s17+s4] =	stream.indirect_vreg.scatter [tilespmem:s20], [sflag:$0x4], $0x80, v3, vm0, $0xb8;
	[tilespmem:$0x18B00] =	vst v63  }
0x1ec: {  	s3 =	simm.s32 $0x7000  }
0x1ed: {  	[hbm4b:s18+s4] =	stream.indirect_vreg.scatter [tilespmem:s3], [sflag:$0x4], $0x80, v3, vm0, $0xb8;
	[tilespmem:$0x18B00] =	vst v63  }
0x1ee: {  	s2 =	simm.s32 $0x4;
	s20 =	simm.s32 $0x7800  }
0x1ef: {  	[hbm4b:s19+s4] =	stream.indirect_vreg.scatter [tilespmem:s20], [sflag:$0x4], $0x80, v3, vm0, $0xb8;
	[tilespmem:$0x18B00] =	vst v63  }
0x1f0: {  	_ =	swait.ge [sflag:s2], $0x8000  }
0x1f1: {  	[sflag:s2] =	ssyncset.done $0x0  }
0x1f2: {  	s29 =	rddreg [dreg:$0x12];
	[sflag:s2] =	ssyncadd.s32 $0xFFFF8000;
	s2 =	simm.s32 $0x18000  }
0x1f3: {  	[tilespmem:s2], [sflag:$0x7] =	stream.linear.gather [hbm4b:s29+s4], $0x10, $0x38;
	[tilespmem:$0x18B00] =	vst v63  }
0x1f4: {  	_ =	swait.ge [sflag:s22], $0x10  }
0x1f5: {  	[sflag:s22] =	ssyncset.done $0x0  }
0x1f6: {  	s2 =	simm.s32 $0x18180;
	s29 =	rddreg [dreg:$0x13];
	[sflag:s22] =	ssyncadd.s32 $0xFFFFFFF0  }
0x1f7: {  	[tilespmem:s2], [sflag:$0x7] =	stream.linear.gather [hbm4b:s29+s4], $0x10, $0x38;
	[tilespmem:$0x18B00] =	vst v63  }
0x1f8: {  	_ =	swait.ge [sflag:s22], $0x10  }
0x1f9: {  	[sflag:s22] =	ssyncset.done $0x0  }
0x1fa: {  	[sflag:s22] =	ssyncadd.s32 $0xFFFFFFF0  }
0x1fb: {  	v3 =	vld [tilespmem:$0x18180];
	_ =	sdelay $0x4  }
0x1fc: {  	v58 =	vshll.u32 v3, $0x4  }
0x1fd: {  	v3 =	vand.u32 $0x7, v3;
	v4 =	vand.u32 $0xFFFFFF80, v58  }
0x1fe: {  	v3 =	vor.u32 v3, v4  }
0x1ff: {  	v4 =	vperm.xlane v3, v0;
	_ =	sdelay $0x1  }
0x200: {  	v4 =	vadd.s32 v1, v4;
	_ =	sdelay $0x4  }
0x201: {  	[tilespmem:s4], [sflag:$0x1] =	stream.indirect_vreg.gather [hbm4b:s6+s4], $0x80, v4, vm0, $0xb8;
	[tilespmem:$0x18B00] =	vst v63  }
0x202: {  	_ = 	snop  }
0x203: {  	[tilespmem:s5], [sflag:$0x1] =	stream.indirect_vreg.gather [hbm4b:s7+s4], $0x80, v4, vm0, $0xb8;
	[tilespmem:$0x18B00] =	vst v63  }
0x204: {  	_ = 	snop  }
0x205: {  	[tilespmem:s21], [sflag:$0x1] =	stream.indirect_vreg.gather [hbm4b:s8+s4], $0x80, v4, vm0, $0xb8;
	[tilespmem:$0x18B00] =	vst v63  }
0x206: {  	_ = 	snop  }
0x207: {  	[tilespmem:s25], [sflag:$0x1] =	stream.indirect_vreg.gather [hbm4b:s9+s4], $0x80, v4, vm0, $0xb8;
	[tilespmem:$0x18B00] =	vst v63  }
0x208: {  	_ = 	snop  }
0x209: {  	[tilespmem:s0], [sflag:$0x1] =	stream.indirect_vreg.gather [hbm4b:s10+s4], $0x80, v4, vm0, $0xb8;
	[tilespmem:$0x18B00] =	vst v63  }
0x20a: {  	v3 =	vperm.xlane v3, v2  }
0x20b: {  	[tilespmem:s23], [sflag:$0x1] =	stream.indirect_vreg.gather [hbm4b:s11+s4], $0x80, v4, vm0, $0xb8;
	[tilespmem:$0x18B00] =	vst v63  }
0x20c: {  	v3 =	vadd.s32 v1, v3  }
0x20d: {  	[tilespmem:s28], [sflag:$0x1] =	stream.indirect_vreg.gather [hbm4b:s12+s4], $0x80, v4, vm0, $0xb8;
	[tilespmem:$0x18B00] =	vst v63  }
0x20e: {  	_ = 	snop  }
0x20f: {  	[tilespmem:s24], [sflag:$0x1] =	stream.indirect_vreg.gather [hbm4b:s1+s4], $0x80, v4, vm0, $0xb8;
	[tilespmem:$0x18B00] =	vst v63  }
0x210: {  	_ = 	snop  }
0x211: {  	[tilespmem:s26], [sflag:$0x1] =	stream.indirect_vreg.gather [hbm4b:s6+s4], $0x80, v3, vm0, $0xb8;
	[tilespmem:$0x18B00] =	vst v63  }
0x212: {  	_ = 	snop  }
0x213: {  	[tilespmem:s30], [sflag:$0x1] =	stream.indirect_vreg.gather [hbm4b:s7+s4], $0x80, v3, vm0, $0xb8;
	[tilespmem:$0x18B00] =	vst v63  }
0x214: {  	_ = 	snop  }
0x215: {  	[tilespmem:s31], [sflag:$0x1] =	stream.indirect_vreg.gather [hbm4b:s8+s4], $0x80, v3, vm0, $0xb8;
	[tilespmem:$0x18B00] =	vst v63  }
0x216: {  	s24 =	simm.s32 $0x5800  }
0x217: {  	[tilespmem:s24], [sflag:$0x1] =	stream.indirect_vreg.gather [hbm4b:s9+s4], $0x80, v3, vm0, $0xb8;
	[tilespmem:$0x18B00] =	vst v63  }
0x218: {  	s25 =	simm.s32 $0x6000  }
0x219: {  	[tilespmem:s25], [sflag:$0x1] =	stream.indirect_vreg.gather [hbm4b:s10+s4], $0x80, v3, vm0, $0xb8;
	[tilespmem:$0x18B00] =	vst v63  }
0x21a: {  	s26 =	simm.s32 $0x6800  }
0x21b: {  	[tilespmem:s26], [sflag:$0x1] =	stream.indirect_vreg.gather [hbm4b:s11+s4], $0x80, v3, vm0, $0xb8;
	[tilespmem:$0x18B00] =	vst v63  }
0x21c: {  	_ = 	snop  }
0x21d: {  	[tilespmem:s3], [sflag:$0x1] =	stream.indirect_vreg.gather [hbm4b:s12+s4], $0x80, v3, vm0, $0xb8;
	[tilespmem:$0x18B00] =	vst v63  }
0x21e: {  	s28 =	simm.s32 $0x2  }
0x21f: {  	[tilespmem:s20], [sflag:$0x1] =	stream.indirect_vreg.gather [hbm4b:s1+s4], $0x80, v3, vm0, $0xb8;
	[tilespmem:$0x18B00] =	vst v63  }
0x220: {  	_ =	swait.ge [sflag:s28], $0x8000  }
0x221: {  	[sflag:s28] =	ssyncset.done $0x0  }
0x222: {  	[sflag:s28] =	ssyncadd.s32 $0xFFFF8000  }
0x223: {  	v3 =	vld [tilespmem:$0x18080];
	_ =	sdelay $0x4  }
0x224: {  	v59 =	vshll.u32 v3, $0x4  }
0x225: {  	v3 =	vand.u32 $0x7, v3;
	v4 =	vand.u32 $0xFFFFFF80, v59  }
0x226: {  	v3 =	vor.u32 v3, v4  }
0x227: {  	v4 =	vperm.xlane v3, v0;
	_ =	sdelay $0x1  }
0x228: {  	v4 =	vadd.s32 v1, v4;
	_ =	sdelay $0x3  }
0x229: {  	s5 =	simm.s32 $0x8000;
	s28 =	rddreg [dreg:$0x3]  }
0x22a: {  	[hbm4b:s28+s4] =	stream.indirect_vreg.scatter [tilespmem:s5], [sflag:$0x5], $0x80, v4, vm0, $0xb8;
	[tilespmem:$0x18B00] =	vst v63  }
0x22b: {  	s26 =	simm.s32 $0x8800  }
0x22c: {  	[hbm4b:s13+s4] =	stream.indirect_vreg.scatter [tilespmem:s26], [sflag:$0x5], $0x80, v4, vm0, $0xb8;
	[tilespmem:$0x18B00] =	vst v63  }
0x22d: {  	s30 =	simm.s32 $0x9000  }
0x22e: {  	[hbm4b:s14+s4] =	stream.indirect_vreg.scatter [tilespmem:s30], [sflag:$0x5], $0x80, v4, vm0, $0xb8;
	[tilespmem:$0x18B00] =	vst v63  }
0x22f: {  	s31 =	simm.s32 $0x9800  }
0x230: {  	[hbm4b:s15+s4] =	stream.indirect_vreg.scatter [tilespmem:s31], [sflag:$0x5], $0x80, v4, vm0, $0xb8;
	[tilespmem:$0x18B00] =	vst v63  }
0x231: {  	s6 =	simm.s32 $0xA000  }
0x232: {  	[hbm4b:s16+s4] =	stream.indirect_vreg.scatter [tilespmem:s6], [sflag:$0x5], $0x80, v4, vm0, $0xb8;
	[tilespmem:$0x18B00] =	vst v63  }
0x233: {  	s29 =	simm.s32 $0xA800;
	v3 =	vperm.xlane v3, v2  }
0x234: {  	[hbm4b:s17+s4] =	stream.indirect_vreg.scatter [tilespmem:s29], [sflag:$0x5], $0x80, v4, vm0, $0xb8;
	[tilespmem:$0x18B00] =	vst v63  }
0x235: {  	s21 =	simm.s32 $0xB000;
	v3 =	vadd.s32 v1, v3  }
0x236: {  	[hbm4b:s18+s4] =	stream.indirect_vreg.scatter [tilespmem:s21], [sflag:$0x5], $0x80, v4, vm0, $0xb8;
	[tilespmem:$0x18B00] =	vst v63  }
0x237: {  	s23 =	simm.s32 $0xB800  }
0x238: {  	[hbm4b:s19+s4] =	stream.indirect_vreg.scatter [tilespmem:s23], [sflag:$0x5], $0x80, v4, vm0, $0xb8;
	[tilespmem:$0x18B00] =	vst v63  }
0x239: {  	s24 =	simm.s32 $0xC000  }
0x23a: {  	[hbm4b:s28+s4] =	stream.indirect_vreg.scatter [tilespmem:s24], [sflag:$0x5], $0x80, v3, vm0, $0xb8;
	[tilespmem:$0x18B00] =	vst v63  }
0x23b: {  	s2 =	simm.s32 $0xC800  }
0x23c: {  	[hbm4b:s13+s4] =	stream.indirect_vreg.scatter [tilespmem:s2], [sflag:$0x5], $0x80, v3, vm0, $0xb8;
	[tilespmem:$0x18B00] =	vst v63  }
0x23d: {  	s0 =	simm.s32 $0xD000  }
0x23e: {  	[hbm4b:s14+s4] =	stream.indirect_vreg.scatter [tilespmem:s0], [sflag:$0x5], $0x80, v3, vm0, $0xb8;
	[tilespmem:$0x18B00] =	vst v63  }
0x23f: {  	s20 =	simm.s32 $0xD800  }
0x240: {  	[hbm4b:s15+s4] =	stream.indirect_vreg.scatter [tilespmem:s20], [sflag:$0x5], $0x80, v3, vm0, $0xb8;
	[tilespmem:$0x18B00] =	vst v63  }
0x241: {  	s25 =	simm.s32 $0xE000  }
0x242: {  	[hbm4b:s16+s4] =	stream.indirect_vreg.scatter [tilespmem:s25], [sflag:$0x5], $0x80, v3, vm0, $0xb8;
	[tilespmem:$0x18B00] =	vst v63  }
0x243: {  	s25 =	simm.s32 $0xE800  }
0x244: {  	[hbm4b:s17+s4] =	stream.indirect_vreg.scatter [tilespmem:s25], [sflag:$0x5], $0x80, v3, vm0, $0xb8;
	[tilespmem:$0x18B00] =	vst v63  }
0x245: {  	s3 =	simm.s32 $0xF000  }
0x246: {  	[hbm4b:s18+s4] =	stream.indirect_vreg.scatter [tilespmem:s3], [sflag:$0x5], $0x80, v3, vm0, $0xb8;
	[tilespmem:$0x18B00] =	vst v63  }
0x247: {  	s29 =	simm.s32 $0xF800;
	s0 =	simm.s32 $0x5  }
0x248: {  	[hbm4b:s19+s4] =	stream.indirect_vreg.scatter [tilespmem:s29], [sflag:$0x5], $0x80, v3, vm0, $0xb8;
	[tilespmem:$0x18B00] =	vst v63  }
0x249: {  	_ =	swait.ge [sflag:s0], $0x8000  }
0x24a: {  	[sflag:s0] =	ssyncset.done $0x0  }
0x24b: {  	s29 =	rddreg [dreg:$0x14];
	[sflag:s0] =	ssyncadd.s32 $0xFFFF8000;
	s0 =	simm.s32 $0x18080  }
0x24c: {  	[tilespmem:s0], [sflag:$0x7] =	stream.linear.gather [hbm4b:s29+s4], $0x10, $0x38;
	[tilespmem:$0x18B00] =	vst v63  }
0x24d: {  	_ =	swait.ge [sflag:s22], $0x10  }
0x24e: {  	[sflag:s22] =	ssyncset.done $0x0  }
0x24f: {  	s0 =	simm.s32 $0x18200;
	s20 =	rddreg [dreg:$0x15];
	[sflag:s22] =	ssyncadd.s32 $0xFFFFFFF0  }
0x250: {  	[tilespmem:s0], [sflag:$0x7] =	stream.linear.gather [hbm4b:s20+s4], $0x10, $0x38;
	[tilespmem:$0x18B00] =	vst v63  }
0x251: {  	_ =	swait.ge [sflag:s22], $0x10  }
0x252: {  	[sflag:s22] =	ssyncset.done $0x0  }
0x253: {  	[sflag:s22] =	ssyncadd.s32 $0xFFFFFFF0  }
0x254: {  	v3 =	vld [tilespmem:$0x18200];
	_ =	sdelay $0x4  }
0x255: {  	v60 =	vshll.u32 v3, $0x4  }
0x256: {  	v3 =	vand.u32 $0x7, v3;
	v4 =	vand.u32 $0xFFFFFF80, v60  }
0x257: {  	v3 =	vor.u32 v3, v4  }
0x258: {  	v4 =	vperm.xlane v3, v0;
	_ =	sdelay $0x1  }
0x259: {  	v4 =	vadd.s32 v1, v4;
	_ =	sdelay $0x3  }
0x25a: {  	s0 =	rddreg [dreg:$0x1]  }
0x25b: {  	[tilespmem:s5], [sflag:$0x2] =	stream.indirect_vreg.gather [hbm4b:s0+s4], $0x80, v4, vm0, $0xb8;
	[tilespmem:$0x18B00] =	vst v63  }
0x25c: {  	_ = 	snop  }
0x25d: {  	[tilespmem:s26], [sflag:$0x2] =	stream.indirect_vreg.gather [hbm4b:s7+s4], $0x80, v4, vm0, $0xb8;
	[tilespmem:$0x18B00] =	vst v63  }
0x25e: {  	_ = 	snop  }
0x25f: {  	[tilespmem:s30], [sflag:$0x2] =	stream.indirect_vreg.gather [hbm4b:s8+s4], $0x80, v4, vm0, $0xb8;
	[tilespmem:$0x18B00] =	vst v63  }
0x260: {  	_ = 	snop  }
0x261: {  	[tilespmem:s31], [sflag:$0x2] =	stream.indirect_vreg.gather [hbm4b:s9+s4], $0x80, v4, vm0, $0xb8;
	[tilespmem:$0x18B00] =	vst v63  }
0x262: {  	_ = 	snop  }
0x263: {  	[tilespmem:s6], [sflag:$0x2] =	stream.indirect_vreg.gather [hbm4b:s10+s4], $0x80, v4, vm0, $0xb8;
	[tilespmem:$0x18B00] =	vst v63  }
0x264: {  	v3 =	vperm.xlane v3, v2;
	s6 =	simm.s32 $0xA800  }
0x265: {  	[tilespmem:s6], [sflag:$0x2] =	stream.indirect_vreg.gather [hbm4b:s11+s4], $0x80, v4, vm0, $0xb8;
	[tilespmem:$0x18B00] =	vst v63  }
0x266: {  	v3 =	vadd.s32 v1, v3  }
0x267: {  	[tilespmem:s21], [sflag:$0x2] =	stream.indirect_vreg.gather [hbm4b:s12+s4], $0x80, v4, vm0, $0xb8;
	[tilespmem:$0x18B00] =	vst v63  }
0x268: {  	_ = 	snop  }
0x269: {  	[tilespmem:s23], [sflag:$0x2] =	stream.indirect_vreg.gather [hbm4b:s1+s4], $0x80, v4, vm0, $0xb8;
	[tilespmem:$0x18B00] =	vst v63  }
0x26a: {  	_ = 	snop  }
0x26b: {  	[tilespmem:s24], [sflag:$0x2] =	stream.indirect_vreg.gather [hbm4b:s0+s4], $0x80, v3, vm0, $0xb8;
	[tilespmem:$0x18B00] =	vst v63  }
0x26c: {  	_ = 	snop  }
0x26d: {  	[tilespmem:s2], [sflag:$0x2] =	stream.indirect_vreg.gather [hbm4b:s7+s4], $0x80, v3, vm0, $0xb8;
	[tilespmem:$0x18B00] =	vst v63  }
0x26e: {  	s7 =	simm.s32 $0xD000  }
0x26f: {  	[tilespmem:s7], [sflag:$0x2] =	stream.indirect_vreg.gather [hbm4b:s8+s4], $0x80, v3, vm0, $0xb8;
	[tilespmem:$0x18B00] =	vst v63  }
0x270: {  	s0 =	simm.s32 $0xD800  }
0x271: {  	[tilespmem:s0], [sflag:$0x2] =	stream.indirect_vreg.gather [hbm4b:s9+s4], $0x80, v3, vm0, $0xb8;
	[tilespmem:$0x18B00] =	vst v63  }
0x272: {  	s7 =	simm.s32 $0xE000  }
0x273: {  	[tilespmem:s7], [sflag:$0x2] =	stream.indirect_vreg.gather [hbm4b:s10+s4], $0x80, v3, vm0, $0xb8;
	[tilespmem:$0x18B00] =	vst v63  }
0x274: {  	_ = 	snop  }
0x275: {  	[tilespmem:s25], [sflag:$0x2] =	stream.indirect_vreg.gather [hbm4b:s11+s4], $0x80, v3, vm0, $0xb8;
	[tilespmem:$0x18B00] =	vst v63  }
0x276: {  	_ = 	snop  }
0x277: {  	[tilespmem:s3], [sflag:$0x2] =	stream.indirect_vreg.gather [hbm4b:s12+s4], $0x80, v3, vm0, $0xb8;
	[tilespmem:$0x18B00] =	vst v63  }
0x278: {  	s11 =	simm.s32 $0xF800;
	s12 =	simm.s32 $0x3  }
0x279: {  	[tilespmem:s11], [sflag:$0x2] =	stream.indirect_vreg.gather [hbm4b:s1+s4], $0x80, v3, vm0, $0xb8;
	[tilespmem:$0x18B00] =	vst v63  }
0x27a: {  	_ =	swait.ge [sflag:s12], $0x8000  }
0x27b: {  	[sflag:s12] =	ssyncset.done $0x0  }
0x27c: {  	[sflag:s12] =	ssyncadd.s32 $0xFFFF8000  }
0x27d: {  	v3 =	vld [tilespmem:$0x18100];
	_ =	sdelay $0x4  }
0x27e: {  	v61 =	vshll.u32 v3, $0x4  }
0x27f: {  	v3 =	vand.u32 $0x7, v3;
	v4 =	vand.u32 $0xFFFFFF80, v61  }
0x280: {  	v3 =	vor.u32 v3, v4  }
0x281: {  	v4 =	vperm.xlane v3, v0;
	_ =	sdelay $0x1  }
0x282: {  	v4 =	vadd.s32 v1, v4;
	_ =	sdelay $0x3  }
0x283: {  	s25 =	simm.s32 $0x10000  }
0x284: {  	[hbm4b:s28+s4] =	stream.indirect_vreg.scatter [tilespmem:s25], [sflag:$0x6], $0x80, v4, vm0, $0xb8;
	[tilespmem:$0x18B00] =	vst v63  }
0x285: {  	s0 =	simm.s32 $0x10800  }
0x286: {  	[hbm4b:s13+s4] =	stream.indirect_vreg.scatter [tilespmem:s0], [sflag:$0x6], $0x80, v4, vm0, $0xb8;
	[tilespmem:$0x18B00] =	vst v63  }
0x287: {  	s11 =	simm.s32 $0x11000  }
0x288: {  	[hbm4b:s14+s4] =	stream.indirect_vreg.scatter [tilespmem:s11], [sflag:$0x6], $0x80, v4, vm0, $0xb8;
	[tilespmem:$0x18B00] =	vst v63  }
0x289: {  	s12 =	simm.s32 $0x11800  }
0x28a: {  	[hbm4b:s15+s4] =	stream.indirect_vreg.scatter [tilespmem:s12], [sflag:$0x6], $0x80, v4, vm0, $0xb8;
	[tilespmem:$0x18B00] =	vst v63  }
0x28b: {  	s25 =	simm.s32 $0x12000  }
0x28c: {  	[hbm4b:s16+s4] =	stream.indirect_vreg.scatter [tilespmem:s25], [sflag:$0x6], $0x80, v4, vm0, $0xb8;
	[tilespmem:$0x18B00] =	vst v63  }
0x28d: {  	v3 =	vperm.xlane v3, v2;
	s0 =	simm.s32 $0x12800  }
0x28e: {  	[hbm4b:s17+s4] =	stream.indirect_vreg.scatter [tilespmem:s0], [sflag:$0x6], $0x80, v4, vm0, $0xb8;
	[tilespmem:$0x18B00] =	vst v63  }
0x28f: {  	v3 =	vadd.s32 v1, v3;
	s11 =	simm.s32 $0x13000  }
0x290: {  	[hbm4b:s18+s4] =	stream.indirect_vreg.scatter [tilespmem:s11], [sflag:$0x6], $0x80, v4, vm0, $0xb8;
	[tilespmem:$0x18B00] =	vst v63  }
0x291: {  	s12 =	simm.s32 $0x13800  }
0x292: {  	[hbm4b:s19+s4] =	stream.indirect_vreg.scatter [tilespmem:s12], [sflag:$0x6], $0x80, v4, vm0, $0xb8;
	[tilespmem:$0x18B00] =	vst v63  }
0x293: {  	s25 =	simm.s32 $0x14000  }
0x294: {  	[hbm4b:s28+s4] =	stream.indirect_vreg.scatter [tilespmem:s25], [sflag:$0x6], $0x80, v3, vm0, $0xb8;
	[tilespmem:$0x18B00] =	vst v63  }
0x295: {  	s0 =	simm.s32 $0x14800  }
0x296: {  	[hbm4b:s13+s4] =	stream.indirect_vreg.scatter [tilespmem:s0], [sflag:$0x6], $0x80, v3, vm0, $0xb8;
	[tilespmem:$0x18B00] =	vst v63  }
0x297: {  	s11 =	simm.s32 $0x15000  }
0x298: {  	[hbm4b:s14+s4] =	stream.indirect_vreg.scatter [tilespmem:s11], [sflag:$0x6], $0x80, v3, vm0, $0xb8;
	[tilespmem:$0x18B00] =	vst v63  }
0x299: {  	s12 =	simm.s32 $0x15800  }
0x29a: {  	[hbm4b:s15+s4] =	stream.indirect_vreg.scatter [tilespmem:s12], [sflag:$0x6], $0x80, v3, vm0, $0xb8;
	[tilespmem:$0x18B00] =	vst v63  }
0x29b: {  	s25 =	simm.s32 $0x16000  }
0x29c: {  	[hbm4b:s16+s4] =	stream.indirect_vreg.scatter [tilespmem:s25], [sflag:$0x6], $0x80, v3, vm0, $0xb8;
	[tilespmem:$0x18B00] =	vst v63  }
0x29d: {  	s0 =	simm.s32 $0x16800  }
0x29e: {  	[hbm4b:s17+s4] =	stream.indirect_vreg.scatter [tilespmem:s0], [sflag:$0x6], $0x80, v3, vm0, $0xb8;
	[tilespmem:$0x18B00] =	vst v63  }
0x29f: {  	s11 =	simm.s32 $0x17000  }
0x2a0: {  	[hbm4b:s18+s4] =	stream.indirect_vreg.scatter [tilespmem:s11], [sflag:$0x6], $0x80, v3, vm0, $0xb8;
	[tilespmem:$0x18B00] =	vst v63  }
0x2a1: {  	s12 =	simm.s32 $0x17800;
	s25 =	simm.s32 $0x1  }
0x2a2: {  	[hbm4b:s19+s4] =	stream.indirect_vreg.scatter [tilespmem:s12], [sflag:$0x6], $0x80, v3, vm0, $0xb8;
	[tilespmem:$0x18B00] =	vst v63  }
0x2a3: {  	_ =	swait.ge [sflag:s25], $0x8000  }
0x2a4: {  	[sflag:s25] =	ssyncset.done $0x0  }
0x2a5: {  	[sflag:s25] =	ssyncadd.s32 $0xFFFF8000  }
0x2a6: {  	v3 =	vld [tilespmem:$0x18000];
	_ =	sdelay $0x4  }
0x2a7: {  	v62 =	vshll.u32 v3, $0x4  }
0x2a8: {  	v3 =	vand.u32 $0x7, v3;
	v4 =	vand.u32 $0xFFFFFF80, v62  }
0x2a9: {  	v3 =	vor.u32 v3, v4  }
0x2aa: {  	v4 =	vperm.xlane v3, v0;
	_ =	sdelay $0x1  }
0x2ab: {  	v4 =	vadd.s32 v1, v4;
	_ =	sdelay $0x4  }
0x2ac: {  	[hbm4b:s28+s4] =	stream.indirect_vreg.scatter [tilespmem:s4], [sflag:$0x4], $0x80, v4, vm0, $0xb8;
	[tilespmem:$0x18B00] =	vst v63  }
0x2ad: {  	s0 =	simm.s32 $0x800  }
0x2ae: {  	[hbm4b:s13+s4] =	stream.indirect_vreg.scatter [tilespmem:s0], [sflag:$0x4], $0x80, v4, vm0, $0xb8;
	[tilespmem:$0x18B00] =	vst v63  }
0x2af: {  	s11 =	simm.s32 $0x1000  }
0x2b0: {  	[hbm4b:s14+s4] =	stream.indirect_vreg.scatter [tilespmem:s11], [sflag:$0x4], $0x80, v4, vm0, $0xb8;
	[tilespmem:$0x18B00] =	vst v63  }
0x2b1: {  	s12 =	simm.s32 $0x1800  }
0x2b2: {  	[hbm4b:s15+s4] =	stream.indirect_vreg.scatter [tilespmem:s12], [sflag:$0x4], $0x80, v4, vm0, $0xb8;
	[tilespmem:$0x18B00] =	vst v63  }
0x2b3: {  	s25 =	simm.s32 $0x2000  }
0x2b4: {  	[hbm4b:s16+s4] =	stream.indirect_vreg.scatter [tilespmem:s25], [sflag:$0x4], $0x80, v4, vm0, $0xb8;
	[tilespmem:$0x18B00] =	vst v63  }
0x2b5: {  	v3 =	vperm.xlane v3, v2;
	s0 =	simm.s32 $0x2800  }
0x2b6: {  	[hbm4b:s17+s4] =	stream.indirect_vreg.scatter [tilespmem:s0], [sflag:$0x4], $0x80, v4, vm0, $0xb8;
	[tilespmem:$0x18B00] =	vst v63  }
0x2b7: {  	v3 =	vadd.s32 v1, v3;
	s11 =	simm.s32 $0x3000  }
0x2b8: {  	[hbm4b:s18+s4] =	stream.indirect_vreg.scatter [tilespmem:s11], [sflag:$0x4], $0x80, v4, vm0, $0xb8;
	[tilespmem:$0x18B00] =	vst v63  }
0x2b9: {  	s12 =	simm.s32 $0x3800  }
0x2ba: {  	[hbm4b:s19+s4] =	stream.indirect_vreg.scatter [tilespmem:s12], [sflag:$0x4], $0x80, v4, vm0, $0xb8;
	[tilespmem:$0x18B00] =	vst v63  }
0x2bb: {  	s25 =	simm.s32 $0x4000  }
0x2bc: {  	[hbm4b:s28+s4] =	stream.indirect_vreg.scatter [tilespmem:s25], [sflag:$0x4], $0x80, v3, vm0, $0xb8;
	[tilespmem:$0x18B00] =	vst v63  }
0x2bd: {  	s0 =	simm.s32 $0x4800  }
0x2be: {  	[hbm4b:s13+s4] =	stream.indirect_vreg.scatter [tilespmem:s0], [sflag:$0x4], $0x80, v3, vm0, $0xb8;
	[tilespmem:$0x18B00] =	vst v63  }
0x2bf: {  	s11 =	simm.s32 $0x5000  }
0x2c0: {  	[hbm4b:s14+s4] =	stream.indirect_vreg.scatter [tilespmem:s11], [sflag:$0x4], $0x80, v3, vm0, $0xb8;
	[tilespmem:$0x18B00] =	vst v63  }
0x2c1: {  	s12 =	simm.s32 $0x5800  }
0x2c2: {  	[hbm4b:s15+s4] =	stream.indirect_vreg.scatter [tilespmem:s12], [sflag:$0x4], $0x80, v3, vm0, $0xb8;
	[tilespmem:$0x18B00] =	vst v63  }
0x2c3: {  	s25 =	simm.s32 $0x6000  }
0x2c4: {  	[hbm4b:s16+s4] =	stream.indirect_vreg.scatter [tilespmem:s25], [sflag:$0x4], $0x80, v3, vm0, $0xb8;
	[tilespmem:$0x18B00] =	vst v63  }
0x2c5: {  	s0 =	simm.s32 $0x6800  }
0x2c6: {  	[hbm4b:s17+s4] =	stream.indirect_vreg.scatter [tilespmem:s0], [sflag:$0x4], $0x80, v3, vm0, $0xb8;
	[tilespmem:$0x18B00] =	vst v63  }
0x2c7: {  	s11 =	simm.s32 $0x7000  }
0x2c8: {  	[hbm4b:s18+s4] =	stream.indirect_vreg.scatter [tilespmem:s11], [sflag:$0x4], $0x80, v3, vm0, $0xb8;
	[tilespmem:$0x18B00] =	vst v63  }
0x2c9: {  	s12 =	simm.s32 $0x7800;
	s25 =	simm.s32 $0x2  }
0x2ca: {  	[hbm4b:s19+s4] =	stream.indirect_vreg.scatter [tilespmem:s12], [sflag:$0x4], $0x80, v3, vm0, $0xb8;
	[tilespmem:$0x18B00] =	vst v63  }
0x2cb: {  	_ =	swait.ge [sflag:s25], $0x8000  }
0x2cc: {  	[sflag:s25] =	ssyncset.done $0x0  }
0x2cd: {  	[sflag:s25] =	ssyncadd.s32 $0xFFFF8000  }
0x2ce: {  	v3 =	vld [tilespmem:$0x18080];
	_ =	sdelay $0x4  }
0x2cf: {  	v63 =	vshll.u32 v3, $0x4  }
0x2d0: {  	v3 =	vand.u32 $0x7, v3;
	v4 =	vand.u32 $0xFFFFFF80, v63  }
0x2d1: {  	v3 =	vor.u32 v3, v4  }
0x2d2: {  	v4 =	vperm.xlane v3, v0;
	_ =	sdelay $0x1  }
0x2d3: {  	v4 =	vadd.s32 v1, v4;
	_ =	sdelay $0x3  }
0x2d4: {  	s20 =	simm.s32 $0x8000  }
0x2d5: {  	[hbm4b:s28+s4] =	stream.indirect_vreg.scatter [tilespmem:s20], [sflag:$0x5], $0x80, v4, vm0, $0xb8;
	[tilespmem:$0x18B00] =	vst v63  }
0x2d6: {  	s26 =	simm.s32 $0x8800  }
0x2d7: {  	[hbm4b:s13+s4] =	stream.indirect_vreg.scatter [tilespmem:s26], [sflag:$0x5], $0x80, v4, vm0, $0xb8;
	[tilespmem:$0x18B00] =	vst v63  }
0x2d8: {  	s30 =	simm.s32 $0x9000  }
0x2d9: {  	[hbm4b:s14+s4] =	stream.indirect_vreg.scatter [tilespmem:s30], [sflag:$0x5], $0x80, v4, vm0, $0xb8;
	[tilespmem:$0x18B00] =	vst v63  }
0x2da: {  	s31 =	simm.s32 $0x9800  }
0x2db: {  	[hbm4b:s15+s4] =	stream.indirect_vreg.scatter [tilespmem:s31], [sflag:$0x5], $0x80, v4, vm0, $0xb8;
	[tilespmem:$0x18B00] =	vst v63  }
0x2dc: {  	s29 =	simm.s32 $0xA000  }
0x2dd: {  	[hbm4b:s16+s4] =	stream.indirect_vreg.scatter [tilespmem:s29], [sflag:$0x5], $0x80, v4, vm0, $0xb8;
	[tilespmem:$0x18B00] =	vst v63  }
0x2de: {  	s5 =	simm.s32 $0xA800;
	v3 =	vperm.xlane v3, v2  }
0x2df: {  	[hbm4b:s17+s4] =	stream.indirect_vreg.scatter [tilespmem:s5], [sflag:$0x5], $0x80, v4, vm0, $0xb8;
	[tilespmem:$0x18B00] =	vst v63  }
0x2e0: {  	s6 =	simm.s32 $0xB000;
	v3 =	vadd.s32 v1, v3  }
0x2e1: {  	[hbm4b:s18+s4] =	stream.indirect_vreg.scatter [tilespmem:s6], [sflag:$0x5], $0x80, v4, vm0, $0xb8;
	[tilespmem:$0x18B00] =	vst v63  }
0x2e2: {  	s21 =	simm.s32 $0xB800  }
0x2e3: {  	[hbm4b:s19+s4] =	stream.indirect_vreg.scatter [tilespmem:s21], [sflag:$0x5], $0x80, v4, vm0, $0xb8;
	[tilespmem:$0x18B00] =	vst v63  }
0x2e4: {  	s23 =	simm.s32 $0xC000  }
0x2e5: {  	[hbm4b:s28+s4] =	stream.indirect_vreg.scatter [tilespmem:s23], [sflag:$0x5], $0x80, v3, vm0, $0xb8;
	[tilespmem:$0x18B00] =	vst v63  }
0x2e6: {  	s24 =	simm.s32 $0xC800  }
0x2e7: {  	[hbm4b:s13+s4] =	stream.indirect_vreg.scatter [tilespmem:s24], [sflag:$0x5], $0x80, v3, vm0, $0xb8;
	[tilespmem:$0x18B00] =	vst v63  }
0x2e8: {  	s8 =	simm.s32 $0xD000  }
0x2e9: {  	[hbm4b:s14+s4] =	stream.indirect_vreg.scatter [tilespmem:s8], [sflag:$0x5], $0x80, v3, vm0, $0xb8;
	[tilespmem:$0x18B00] =	vst v63  }
0x2ea: {  	s9 =	simm.s32 $0xD800  }
0x2eb: {  	[hbm4b:s15+s4] =	stream.indirect_vreg.scatter [tilespmem:s9], [sflag:$0x5], $0x80, v3, vm0, $0xb8;
	[tilespmem:$0x18B00] =	vst v63  }
0x2ec: {  	s10 =	simm.s32 $0xE000  }
0x2ed: {  	[hbm4b:s16+s4] =	stream.indirect_vreg.scatter [tilespmem:s10], [sflag:$0x5], $0x80, v3, vm0, $0xb8;
	[tilespmem:$0x18B00] =	vst v63  }
0x2ee: {  	s7 =	simm.s32 $0xE800  }
0x2ef: {  	[hbm4b:s17+s4] =	stream.indirect_vreg.scatter [tilespmem:s7], [sflag:$0x5], $0x80, v3, vm0, $0xb8;
	[tilespmem:$0x18B00] =	vst v63  }
0x2f0: {  	s2 =	simm.s32 $0xF000  }
0x2f1: {  	[hbm4b:s18+s4] =	stream.indirect_vreg.scatter [tilespmem:s2], [sflag:$0x5], $0x80, v3, vm0, $0xb8;
	[tilespmem:$0x18B00] =	vst v63  }
0x2f2: {  	s1 =	simm.s32 $0xF800;
	s28 =	simm.s32 $0x6  }
0x2f3: {  	[hbm4b:s19+s4] =	stream.indirect_vreg.scatter [tilespmem:s1], [sflag:$0x5], $0x80, v3, vm0, $0xb8;
	[tilespmem:$0x18B00] =	vst v63  }
0x2f4: {  	_ =	swait.ge [sflag:s28], $0x8000  }
0x2f5: {  	[sflag:s28] =	ssyncset.done $0x0  }
0x2f6: {  	s29 =	simm.s32 $0x4;
	[sflag:s28] =	ssyncadd.s32 $0xFFFF8000  }
0x2f7: {  	_ =	swait.ge [sflag:s29], $0x8000  }
0x2f8: {  	[sflag:s29] =	ssyncset.done $0x0  }
0x2f9: {  	s30 =	simm.s32 $0x5;
	[sflag:s29] =	ssyncadd.s32 $0xFFFF8000  }
0x2fa: {  	_ =	swait.ge [sflag:s30], $0x8000  }
0x2fb: {  	[sflag:s30] =	ssyncset.done $0x0  }
0x2fc: {  	[sflag:s30] =	ssyncadd.s32 $0xFFFF8000  }
0x2fd: {  	[bflag:$0x0] =	sbarrier.arrive $0xFFFF  }
0x2fe: {  	s0 =	simm.s32 @!p0 $0x400;
	s29 =	rddreg [dreg:$0x16]  }
0x2ff: {  	s5 =	simm.s32 @!p0 $0x18300;
	s2 =	simm.s32 @!p0 $0x80;
	s31 =	rddreg [dreg:$0x17]  }
0x300: {  	[hbm4b:s29+s2] =	stream.strided.scatter @!p0 [tilespmem:s5], [sflag:$0x7], $0x800, s0, s2, $0x38;
	[tilespmem:$0x18B00] =	vst v63  }
0x301: {  	s2 =	sadd.s32 $0xFFFFFFFF, s31  }
0x302: {  	p1 =	sne.s32 s2, $0x0  }
.Ltmp0:
0x303: {  	_ = 	snop;
	(pc) =	sbr.rel @p1 .LBB2_1-.Ltmp0, $4  }
0x304: {  	s0 =	simm.s32 @!p0 $0x7  }
0x305: {  	_ =	swait.ge @!p0 [sflag:s0], $0x800  }
0x306: {  	[sflag:s0] =	ssyncset.done @!p0 $0x0;
	s0 =	simm.s32 @!p0 $0x7  }
0x307: {  	[sflag:s0] =	ssyncadd.s32 @!p0 $0xFFFFF800  }
0x308: {  	_ =	sfence.sel $0x180000  }
0x309: {  	[bflag:$0x0] =	sbarrier.arrive $0xFFFF  }
0x30a: {  	_ =	strace $0x90000047  }
0x30b: {  	s0 =	stileid.u32;
	[bflag:$0x2] =	sbarrier.arrive $0xFFFF  }
0x30c: {  	p0 =	sne.s32 s0, $0x0;
	s0 =	rddreg [dreg:$0x4]  }
0x30d: {  	s0 =	sadd.s32 @!p0 $0x100000, s0  }
0x30e: {  	[sflag:s0] =	ssyncadd.tile.s32 @!p0 $0x1;
	_ =	shalt  }
.Lfunc_end2:
_tile_overlayer_lowered:
.L_overlay_start_2:
0x30f: {  	(tag) =	ssettag $0x2  }
0x310: {  	s0 =	rddreg [dreg:$0x0];
	s2 =	stileid.u32  }
0x311: {  	s1 =	rddreg [dreg:$0x1];
	p0 =	sne.s32 s2, $0x0  }
0x312: {  	s3 =	rddreg [dreg:$0x2];
	[bflag:$0x3] =	sbarrier.arrive $0xFFFF;
	s2 =	simm.s32 @!p0 $0x1C07  }
0x313: {  	[timem:s3], [sflag:s2] =	dma.local @!p0 [hbm:s0], s1  }
0x314: {  	s0 =	simm.s32 @!p0 $0x7  }
0x315: {  	_ =	swait.ge @!p0 [sflag:s0], s1  }
0x316: {  	s1 =	ssub.s32 @!p0 $0x0, s1;
	[sflag:s0] =	ssyncset.done @!p0 $0x0  }
0x317: {  	[sflag:s0] =	ssyncadd.s32 @!p0 s1  }
0x318: {  	[bflag:$0x3] =	sbarrier.arrive $0xFFFF  }
0x319: {  	_ =	shalt  }

</sc_bundles>
